<compile_context>
chip_gen: v7x
topology: tpu7x:2x2x1
jax: 0.10.2.dev20260603
libtpu: 0.0.44.dev20260713+nightly
codegen_flags: <defaults>
</compile_context>

<pallas_src>
import jax
import jax.numpy as jnp
from jax import lax
from jax.experimental import pallas as pl
from jax.experimental.pallas import tpu as pltpu
from jax.experimental.pallas import tpu_sc as plsc

B, L, E = 4096, 50, 300
LP = 56
EG = 384
EP = 304
OUT_W = 3 * EP
NCHUNK = EP // 16
NC, NS = 2, 16
NW = NC * NS
BPW = B // NW
GROUP = 8
HIDDEN, NCLS, NCLS_P = 256, 10, 128


def _pool_body(x0h, x2h, x3h, twh, tbh, tth, outh,
               idx0, idx1, idx2, rows, ostage, sem):
    wid = lax.axis_index("s") * NC + lax.axis_index("c")
    base = wid * BPW
    pltpu.sync_copy(x0h.at[pl.ds(base, BPW)], idx0)
    pltpu.sync_copy(x2h.at[pl.ds(base, BPW)], idx1)
    pltpu.sync_copy(x3h.at[pl.ds(base, BPW)], idx2)
    scale = jnp.float32(1.0 / L)
    zeros16 = jnp.zeros((16,), jnp.float32)

    def group_body(g, carry):
        def row_body(u, carry2):
            r = g * GROUP + u
            for t, (tab, idx) in enumerate(((twh, idx0), (tbh, idx1),
                                            (tth, idx2))):
                pltpu.async_copy(tab.at[idx.at[r]], rows, sem).wait()

                def red(i, acc):
                    return tuple(acc[j] + rows[i, pl.ds(j * 16, 16)]
                                 for j in range(NCHUNK))

                acc = lax.fori_loop(0, L, red, (zeros16,) * NCHUNK)
                for j in range(NCHUNK):
                    ostage[u, pl.ds(t * EP + j * 16, 16)] = acc[j] * scale
            return carry2

        lax.fori_loop(0, GROUP, row_body, 0)
        pltpu.sync_copy(ostage, outh.at[pl.ds(base + g * GROUP, GROUP)])
        return carry

    lax.fori_loop(0, BPW // GROUP, group_body, 0)


def _pooled(x0, x2, x3, emb_word, emb_bi, emb_tri):
    mesh = plsc.VectorSubcoreMesh(core_axis_name="c", subcore_axis_name="s")
    kern = pl.kernel(
        _pool_body,
        mesh=mesh,
        out_type=jax.ShapeDtypeStruct((B, OUT_W), jnp.float32),
        scratch_types=[
            pltpu.VMEM((BPW, LP), jnp.int32),
            pltpu.VMEM((BPW, LP), jnp.int32),
            pltpu.VMEM((BPW, LP), jnp.int32),
            pltpu.VMEM((LP, EG), jnp.float32),
            pltpu.VMEM((GROUP, OUT_W), jnp.float32),
            pltpu.SemaphoreType.DMA,
        ],
    )
    return kern(x0, x2, x3, emb_word, emb_bi, emb_tri)


def _pad_body(x, o):
    o[...] = jax.lax.pad(x[...], jnp.float32(0.0),
                         ((0, 0, 0), (0, EG - E, 0)))


def _pad_table(tab):
    n = tab.shape[0]
    rb = 512
    grid = (n + rb - 1) // rb
    return pl.pallas_call(
        _pad_body,
        grid=(grid,),
        in_specs=[pl.BlockSpec((rb, E), lambda i: (i, 0))],
        out_specs=pl.BlockSpec((rb, EG), lambda i: (i, 0)),
        out_shape=jax.ShapeDtypeStruct((n, EG), jnp.float32),
    )(tab)


def _mlp_body(xp, w1, b1, w2, b2, o):
    h = jnp.maximum(
        jnp.dot(xp[...], w1[...], preferred_element_type=jnp.float32) + b1[...], 0.0)
    o[...] = jnp.dot(h, w2[...], preferred_element_type=jnp.float32) + b2[...]


def _mlp(xp, w1p, b1, w2p, b2p):
    bm = 512
    return pl.pallas_call(
        _mlp_body,
        grid=(B // bm,),
        in_specs=[
            pl.BlockSpec((bm, OUT_W), lambda i: (i, 0)),
            pl.BlockSpec((OUT_W, HIDDEN), lambda i: (0, 0)),
            pl.BlockSpec((1, HIDDEN), lambda i: (0, 0)),
            pl.BlockSpec((HIDDEN, NCLS_P), lambda i: (0, 0)),
            pl.BlockSpec((1, NCLS_P), lambda i: (0, 0)),
        ],
        out_specs=pl.BlockSpec((bm, NCLS_P), lambda i: (i, 0)),
        out_shape=jax.ShapeDtypeStruct((B, NCLS_P), jnp.float32),
    )(xp, w1p, b1, w2p, b2p)


def kernel(x0, x2, x3, emb_word, emb_bi, emb_tri, W1, b1, W2, b2):
    xpad = ((0, 0), (0, LP - L))
    pooled = _pooled(jnp.pad(x0, xpad), jnp.pad(x2, xpad), jnp.pad(x3, xpad),
                     _pad_table(emb_word),
                     _pad_table(emb_bi),
                     _pad_table(emb_tri))
    w1t = W1.T
    w1p = (jnp.zeros((OUT_W, HIDDEN), jnp.float32)
           .at[0:E].set(w1t[0:E])
           .at[EP:EP + E].set(w1t[E:2 * E])
           .at[2 * EP:2 * EP + E].set(w1t[2 * E:3 * E]))
    w2p = jnp.zeros((HIDDEN, NCLS_P), jnp.float32).at[:, :NCLS].set(W2.T)
    b2p = jnp.zeros((NCLS_P,), jnp.float32).at[:NCLS].set(b2)
    out = _mlp(pooled, w1p, b1.reshape(1, HIDDEN), w2p, b2p.reshape(1, NCLS_P))
    return out[:, :NCLS]

# --- scband reference (transcript-rebuilt; emitter-appended) ---
"""Pipeline reference for scband-model-4123168604167 (READ-ONLY COPY).

The authoritative reference and input builder live on the scoring server;
editing this copy changes nothing except your own understanding.
"""

import jax, jax.numpy as jnp
import numpy as np

B, L = 4096, 50
N_VOCAB = 100000
N_GRAM_VOCAB = 250499
EMBED = 300
HIDDEN = 256
NUM_CLASSES = 10

def setup_inputs(seed: int = 0) -> dict:
    key = jax.random.key(seed)
    ks = jax.random.split(key, 10)
    x0 = jax.random.randint(ks[0], (B, L), 0, N_VOCAB, dtype=jnp.int32)
    x2 = jax.random.randint(ks[1], (B, L), 0, N_GRAM_VOCAB, dtype=jnp.int32)
    x3 = jax.random.randint(ks[2], (B, L), 0, N_GRAM_VOCAB, dtype=jnp.int32)
    emb_word = jax.random.normal(ks[3], (N_VOCAB, EMBED), dtype=jnp.float32) * 0.02
    emb_bi = jax.random.normal(ks[4], (N_GRAM_VOCAB, EMBED), dtype=jnp.float32) * 0.02
    emb_tri = jax.random.normal(ks[5], (N_GRAM_VOCAB, EMBED), dtype=jnp.float32) * 0.02
    W1 = jax.random.normal(ks[6], (HIDDEN, EMBED * 3), dtype=jnp.float32) * (1.0 / np.sqrt(EMBED * 3))
    b1 = jnp.zeros((HIDDEN,), dtype=jnp.float32)
    W2 = jax.random.normal(ks[7], (NUM_CLASSES, HIDDEN), dtype=jnp.float32) * (1.0 / np.sqrt(HIDDEN))
    b2 = jnp.zeros((NUM_CLASSES,), dtype=jnp.float32)
    return {"x0": x0, "x2": x2, "x3": x3, "emb_word": emb_word, "emb_bi": emb_bi, "emb_tri": emb_tri, "W1": W1, "b1": b1, "W2": W2, "b2": b2}

def reference(x0, x2, x3, emb_word, emb_bi, emb_tri, W1, b1, W2, b2):
    out_word = jnp.take(emb_word, x0, axis=0)      # [B, L, E]
    out_bigram = jnp.take(emb_bi, x2, axis=0)      # [B, L, E]
    out_trigram = jnp.take(emb_tri, x3, axis=0)    # [B, L, E]
    out = jnp.concatenate((out_word, out_bigram, out_trigram), axis=-1)  # [B, L, 3E]
    out = out.mean(axis=1)                          # [B, 3E]
    # dropout is identity at inference
    out = out @ W1.T + b1
    out = jax.nn.relu(out)
    out = out @ W2.T + b2
    return out

if __name__ == "__main__":
    import jax
    _d = setup_inputs()
    print(jax.jit(kernel)(*tuple(_d.values())))

</pallas_src>

<mosaic_0001>
#map = affine_map<(d0, d1) -> (0, 0)>
module attributes {stable_mosaic.version = 14 : i64} {
  func.func @_pool_body(%arg0: i32, %arg1: i32, %arg2: memref<4096x56xi32, #tpu.memory_space<hbm>>, %arg3: memref<4096x56xi32, #tpu.memory_space<hbm>>, %arg4: memref<4096x56xi32, #tpu.memory_space<hbm>>, %arg5: memref<100000x384xf32, #tpu.memory_space<hbm>>, %arg6: memref<250499x384xf32, #tpu.memory_space<hbm>>, %arg7: memref<250499x384xf32, #tpu.memory_space<hbm>>, %arg8: memref<4096x912xf32, #tpu.memory_space<hbm>>, %arg9: memref<128x56xi32, #tpu.memory_space<vmem>>, %arg10: memref<128x56xi32, #tpu.memory_space<vmem>>, %arg11: memref<128x56xi32, #tpu.memory_space<vmem>>, %arg12: memref<56x384xf32, #tpu.memory_space<vmem>>, %arg13: memref<8x912xf32, #tpu.memory_space<vmem>>, %arg14: memref<!tpu.dma_semaphore, #tpu.memory_space<semaphore_mem>>) attributes {dimension_semantics = [#tpu.dimension_semantics<core_parallel>, #tpu.dimension_semantics<subcore_parallel>], iteration_bounds = array<i64: 2, 16>, scalar_prefetch = 0 : i64, scratch_operands = 6 : i64, tpu.core_type = #tpu.core_type<sc_vector_subcore>, window_params = [{transform_indices = #map}, {transform_indices = #map}, {transform_indices = #map}, {transform_indices = #map}, {transform_indices = #map}, {transform_indices = #map}, {transform_indices = #map}]} {
    %mul3A = arith.constant 2 : i32
    %mul3A_0 = arith.muli %arg1, %mul3A : i32
    %add3A = arith.addi %mul3A_0, %arg0 : i32
    %mul3A_1 = arith.constant 128 : i32
    %mul3A_2 = arith.muli %add3A, %mul3A_1 : i32
    "tpu.region"() ({
      %run_scoped3A = tpu.sem_alloc : memref<!tpu.dma_semaphore, #tpu.memory_space<semaphore_mem>>
      %dma_start3A = arith.constant 0 : i32
      %dma_start3A_10 = tpu.memref_slice %arg2[%mul3A_2, %dma_start3A] : memref<4096x56xi32, #tpu.memory_space<hbm>> -> memref<128x56xi32, #tpu.memory_space<hbm>>
      %dma_start3A_11 = arith.constant 0 : i32
      %dma_start3A_12 = tpu.memref_slice %arg2[%mul3A_2, %dma_start3A_11] : memref<4096x56xi32, #tpu.memory_space<hbm>> -> memref<128x56xi32, #tpu.memory_space<hbm>>
      tpu.enqueue_dma source(%dma_start3A_12 : memref<128x56xi32, #tpu.memory_space<hbm>>) target(%arg9 : memref<128x56xi32, #tpu.memory_space<vmem>>) target_semaphore(%run_scoped3A : memref<!tpu.dma_semaphore, #tpu.memory_space<semaphore_mem>>)
      %dma_wait3A = arith.constant 0 : i32
      %dma_wait3A_13 = tpu.memref_slice %arg2[%mul3A_2, %dma_wait3A] : memref<4096x56xi32, #tpu.memory_space<hbm>> -> memref<128x56xi32, #tpu.memory_space<hbm>>
      %dma_wait3A_14 = arith.constant 0 : i32
      %dma_wait3A_15 = tpu.memref_slice %arg2[%mul3A_2, %dma_wait3A_14] : memref<4096x56xi32, #tpu.memory_space<hbm>> -> memref<128x56xi32, #tpu.memory_space<hbm>>
      tpu.wait_dma2 semaphore(%run_scoped3A : memref<!tpu.dma_semaphore, #tpu.memory_space<semaphore_mem>>) src(%dma_wait3A_15 : memref<128x56xi32, #tpu.memory_space<hbm>>) dst(%arg9 : memref<128x56xi32, #tpu.memory_space<vmem>>)
      tpu.yield
    }) : () -> ()
    "tpu.region"() ({
      %run_scoped3A = tpu.sem_alloc : memref<!tpu.dma_semaphore, #tpu.memory_space<semaphore_mem>>
      %dma_start3A = arith.constant 0 : i32
      %dma_start3A_10 = tpu.memref_slice %arg3[%mul3A_2, %dma_start3A] : memref<4096x56xi32, #tpu.memory_space<hbm>> -> memref<128x56xi32, #tpu.memory_space<hbm>>
      %dma_start3A_11 = arith.constant 0 : i32
      %dma_start3A_12 = tpu.memref_slice %arg3[%mul3A_2, %dma_start3A_11] : memref<4096x56xi32, #tpu.memory_space<hbm>> -> memref<128x56xi32, #tpu.memory_space<hbm>>
      tpu.enqueue_dma source(%dma_start3A_12 : memref<128x56xi32, #tpu.memory_space<hbm>>) target(%arg10 : memref<128x56xi32, #tpu.memory_space<vmem>>) target_semaphore(%run_scoped3A : memref<!tpu.dma_semaphore, #tpu.memory_space<semaphore_mem>>)
      %dma_wait3A = arith.constant 0 : i32
      %dma_wait3A_13 = tpu.memref_slice %arg3[%mul3A_2, %dma_wait3A] : memref<4096x56xi32, #tpu.memory_space<hbm>> -> memref<128x56xi32, #tpu.memory_space<hbm>>
      %dma_wait3A_14 = arith.constant 0 : i32
      %dma_wait3A_15 = tpu.memref_slice %arg3[%mul3A_2, %dma_wait3A_14] : memref<4096x56xi32, #tpu.memory_space<hbm>> -> memref<128x56xi32, #tpu.memory_space<hbm>>
      tpu.wait_dma2 semaphore(%run_scoped3A : memref<!tpu.dma_semaphore, #tpu.memory_space<semaphore_mem>>) src(%dma_wait3A_15 : memref<128x56xi32, #tpu.memory_space<hbm>>) dst(%arg10 : memref<128x56xi32, #tpu.memory_space<vmem>>)
      tpu.yield
    }) : () -> ()
    "tpu.region"() ({
      %run_scoped3A = tpu.sem_alloc : memref<!tpu.dma_semaphore, #tpu.memory_space<semaphore_mem>>
      %dma_start3A = arith.constant 0 : i32
      %dma_start3A_10 = tpu.memref_slice %arg4[%mul3A_2, %dma_start3A] : memref<4096x56xi32, #tpu.memory_space<hbm>> -> memref<128x56xi32, #tpu.memory_space<hbm>>
      %dma_start3A_11 = arith.constant 0 : i32
      %dma_start3A_12 = tpu.memref_slice %arg4[%mul3A_2, %dma_start3A_11] : memref<4096x56xi32, #tpu.memory_space<hbm>> -> memref<128x56xi32, #tpu.memory_space<hbm>>
      tpu.enqueue_dma source(%dma_start3A_12 : memref<128x56xi32, #tpu.memory_space<hbm>>) target(%arg11 : memref<128x56xi32, #tpu.memory_space<vmem>>) target_semaphore(%run_scoped3A : memref<!tpu.dma_semaphore, #tpu.memory_space<semaphore_mem>>)
      %dma_wait3A = arith.constant 0 : i32
      %dma_wait3A_13 = tpu.memref_slice %arg4[%mul3A_2, %dma_wait3A] : memref<4096x56xi32, #tpu.memory_space<hbm>> -> memref<128x56xi32, #tpu.memory_space<hbm>>
      %dma_wait3A_14 = arith.constant 0 : i32
      %dma_wait3A_15 = tpu.memref_slice %arg4[%mul3A_2, %dma_wait3A_14] : memref<4096x56xi32, #tpu.memory_space<hbm>> -> memref<128x56xi32, #tpu.memory_space<hbm>>
      tpu.wait_dma2 semaphore(%run_scoped3A : memref<!tpu.dma_semaphore, #tpu.memory_space<semaphore_mem>>) src(%dma_wait3A_15 : memref<128x56xi32, #tpu.memory_space<hbm>>) dst(%arg11 : memref<128x56xi32, #tpu.memory_space<vmem>>)
      tpu.yield
    }) : () -> ()
    %broadcast_in_dim3A = arith.constant 0.000000e+00 : f32
    %broadcast_in_dim3A_3 = vector.broadcast %broadcast_in_dim3A : f32 to vector<16xf32>
    %scan3A = arith.constant 0 : i32
    %scan3A_4 = arith.constant 2.000000e-02 : f32
    %scan3A_5 = arith.constant 0 : i32
    %scan3A_6 = arith.constant 16 : i32
    %scan3A_7 = arith.addi %scan3A_5, %scan3A_6 : i32
    %scan3A_8 = arith.constant 1 : i32
    scf.for %scan3A_10 = %scan3A_5 to %scan3A_7 step %scan3A_8  : i32 {
      %scan3A_11 = arith.constant 0 : i32
      %scan3A_12 = arith.constant 0 : i32
      %scan3A_13 = arith.constant 8 : i32
      %scan3A_14 = arith.addi %scan3A_12, %scan3A_13 : i32
      %scan3A_15 = arith.constant 1 : i32
      scf.for %scan3A_20 = %scan3A_12 to %scan3A_14 step %scan3A_15  : i32 {
        %mul3A_21 = arith.constant 8 : i32
        %mul3A_22 = arith.muli %scan3A_10, %mul3A_21 : i32
        %add3A_23 = arith.addi %mul3A_22, %scan3A_20 : i32
        %dma_start3A = arith.constant 0 : i32
        %dma_start3A_24 = tpu.memref_slice %arg9[%add3A_23, %dma_start3A] : memref<128x56xi32, #tpu.memory_space<vmem>> -> memref<1x56xi32, #tpu.memory_space<vmem>>
        %dma_start3A_25 = tpu.memref_squeeze %dma_start3A_24 : memref<1x56xi32, #tpu.memory_space<vmem>> -> memref<56xi32, #tpu.memory_space<vmem>>
        %dma_start3A_26 = arith.constant 0 : i32
        %dma_start3A_27 = arith.constant 0 : i32
        %dma_start3A_28 = tpu.memref_slice %arg5[%dma_start3A_26, %dma_start3A_27] : memref<100000x384xf32, #tpu.memory_space<hbm>> -> memref<100000x384xf32, #tpu.memory_space<hbm>>
        tpu.enqueue_indirect_dma source(%dma_start3A_28 : memref<100000x384xf32, #tpu.memory_space<hbm>>) target(%arg12 : memref<56x384xf32, #tpu.memory_space<vmem>>) offsets(%dma_start3A_25 : memref<56xi32, #tpu.memory_space<vmem>>) semaphore(%arg14 : memref<!tpu.dma_semaphore, #tpu.memory_space<semaphore_mem>>)
        %dma_wait3A = arith.constant 0 : i32
        %dma_wait3A_29 = tpu.memref_slice %arg9[%add3A_23, %dma_wait3A] : memref<128x56xi32, #tpu.memory_space<vmem>> -> memref<1x56xi32, #tpu.memory_space<vmem>>
        %dma_wait3A_30 = tpu.memref_squeeze %dma_wait3A_29 : memref<1x56xi32, #tpu.memory_space<vmem>> -> memref<56xi32, #tpu.memory_space<vmem>>
        %dma_wait3A_31 = arith.constant 0 : i32
        %dma_wait3A_32 = arith.constant 0 : i32
        %dma_wait3A_33 = tpu.memref_slice %arg5[%dma_wait3A_31, %dma_wait3A_32] : memref<100000x384xf32, #tpu.memory_space<hbm>> -> memref<100000x384xf32, #tpu.memory_space<hbm>>
        tpu.wait_indirect_dma semaphore(%arg14 : memref<!tpu.dma_semaphore, #tpu.memory_space<semaphore_mem>>) src(%dma_wait3A_33 : memref<100000x384xf32, #tpu.memory_space<hbm>>) dst(%arg12 : memref<56x384xf32, #tpu.memory_space<vmem>>)
        %scan3A_34 = arith.constant 0 : i32
        %scan3A_35 = arith.constant 50 : i32
        %scan3A_36 = arith.addi %scan3A_34, %scan3A_35 : i32
        %scan3A_37 = arith.constant 1 : i32
        %scan3A_38:19 = scf.for %scan3A_474 = %scan3A_34 to %scan3A_36 step %scan3A_37 iter_args(%scan3A_475 = %broadcast_in_dim3A_3, %scan3A_476 = %broadcast_in_dim3A_3, %scan3A_477 = %broadcast_in_dim3A_3, %scan3A_478 = %broadcast_in_dim3A_3, %scan3A_479 = %broadcast_in_dim3A_3, %scan3A_480 = %broadcast_in_dim3A_3, %scan3A_481 = %broadcast_in_dim3A_3, %scan3A_482 = %broadcast_in_dim3A_3, %scan3A_483 = %broadcast_in_dim3A_3, %scan3A_484 = %broadcast_in_dim3A_3, %scan3A_485 = %broadcast_in_dim3A_3, %scan3A_486 = %broadcast_in_dim3A_3, %scan3A_487 = %broadcast_in_dim3A_3, %scan3A_488 = %broadcast_in_dim3A_3, %scan3A_489 = %broadcast_in_dim3A_3, %scan3A_490 = %broadcast_in_dim3A_3, %scan3A_491 = %broadcast_in_dim3A_3, %scan3A_492 = %broadcast_in_dim3A_3, %scan3A_493 = %broadcast_in_dim3A_3) -> (vector<16xf32>, vector<16xf32>, vector<16xf32>, vector<16xf32>, vector<16xf32>, vector<16xf32>, vector<16xf32>, vector<16xf32>, vector<16xf32>, vector<16xf32>, vector<16xf32>, vector<16xf32>, vector<16xf32>, vector<16xf32>, vector<16xf32>, vector<16xf32>, vector<16xf32>, vector<16xf32>, vector<16xf32>)  : i32 {
          %get3A = arith.index_cast %scan3A_474 : i32 to index
          %get3A_494 = arith.constant 0 : index
          %get3A_495 = tpu.vector_load %arg12[%get3A, %get3A_494] {strides = array<i32>} : memref<56x384xf32, #tpu.memory_space<vmem>>, vector<1x16xf32>,
          %get3A_496 = vector.shape_cast %get3A_495 : vector<1x16xf32> to vector<16xf32>
          %add3A_497 = arith.addf %scan3A_475, %get3A_496 : vector<16xf32>
          %get3A_498 = arith.index_cast %scan3A_474 : i32 to index
          %get3A_499 = arith.constant 16 : index
          %get3A_500 = tpu.vector_load %arg12[%get3A_498, %get3A_499] {strides = array<i32>} : memref<56x384xf32, #tpu.memory_space<vmem>>, vector<1x16xf32>,
          %get3A_501 = vector.shape_cast %get3A_500 : vector<1x16xf32> to vector<16xf32>
          %add3A_502 = arith.addf %scan3A_476, %get3A_501 : vector<16xf32>
          %get3A_503 = arith.index_cast %scan3A_474 : i32 to index
          %get3A_504 = arith.constant 32 : index
          %get3A_505 = tpu.vector_load %arg12[%get3A_503, %get3A_504] {strides = array<i32>} : memref<56x384xf32, #tpu.memory_space<vmem>>, vector<1x16xf32>,
          %get3A_506 = vector.shape_cast %get3A_505 : vector<1x16xf32> to vector<16xf32>
          %add3A_507 = arith.addf %scan3A_477, %get3A_506 : vector<16xf32>
          %get3A_508 = arith.index_cast %scan3A_474 : i32 to index
          %get3A_509 = arith.constant 48 : index
          %get3A_510 = tpu.vector_load %arg12[%get3A_508, %get3A_509] {strides = array<i32>} : memref<56x384xf32, #tpu.memory_space<vmem>>, vector<1x16xf32>,
          %get3A_511 = vector.shape_cast %get3A_510 : vector<1x16xf32> to vector<16xf32>
          %add3A_512 = arith.addf %scan3A_478, %get3A_511 : vector<16xf32>
          %get3A_513 = arith.index_cast %scan3A_474 : i32 to index
          %get3A_514 = arith.constant 64 : index
          %get3A_515 = tpu.vector_load %arg12[%get3A_513, %get3A_514] {strides = array<i32>} : memref<56x384xf32, #tpu.memory_space<vmem>>, vector<1x16xf32>,
          %get3A_516 = vector.shape_cast %get3A_515 : vector<1x16xf32> to vector<16xf32>
          %add3A_517 = arith.addf %scan3A_479, %get3A_516 : vector<16xf32>
          %get3A_518 = arith.index_cast %scan3A_474 : i32 to index
          %get3A_519 = arith.constant 80 : index
          %get3A_520 = tpu.vector_load %arg12[%get3A_518, %get3A_519] {strides = array<i32>} : memref<56x384xf32, #tpu.memory_space<vmem>>, vector<1x16xf32>,
          %get3A_521 = vector.shape_cast %get3A_520 : vector<1x16xf32> to vector<16xf32>
          %add3A_522 = arith.addf %scan3A_480, %get3A_521 : vector<16xf32>
          %get3A_523 = arith.index_cast %scan3A_474 : i32 to index
          %get3A_524 = arith.constant 96 : index
          %get3A_525 = tpu.vector_load %arg12[%get3A_523, %get3A_524] {strides = array<i32>} : memref<56x384xf32, #tpu.memory_space<vmem>>, vector<1x16xf32>,
          %get3A_526 = vector.shape_cast %get3A_525 : vector<1x16xf32> to vector<16xf32>
          %add3A_527 = arith.addf %scan3A_481, %get3A_526 : vector<16xf32>
          %get3A_528 = arith.index_cast %scan3A_474 : i32 to index
          %get3A_529 = arith.constant 112 : index
          %get3A_530 = tpu.vector_load %arg12[%get3A_528, %get3A_529] {strides = array<i32>} : memref<56x384xf32, #tpu.memory_space<vmem>>, vector<1x16xf32>,
          %get3A_531 = vector.shape_cast %get3A_530 : vector<1x16xf32> to vector<16xf32>
          %add3A_532 = arith.addf %scan3A_482, %get3A_531 : vector<16xf32>
          %get3A_533 = arith.index_cast %scan3A_474 : i32 to index
          %get3A_534 = arith.constant 128 : index
          %get3A_535 = tpu.vector_load %arg12[%get3A_533, %get3A_534] {strides = array<i32>} : memref<56x384xf32, #tpu.memory_space<vmem>>, vector<1x16xf32>,
          %get3A_536 = vector.shape_cast %get3A_535 : vector<1x16xf32> to vector<16xf32>
          %add3A_537 = arith.addf %scan3A_483, %get3A_536 : vector<16xf32>
          %get3A_538 = arith.index_cast %scan3A_474 : i32 to index
          %get3A_539 = arith.constant 144 : index
          %get3A_540 = tpu.vector_load %arg12[%get3A_538, %get3A_539] {strides = array<i32>} : memref<56x384xf32, #tpu.memory_space<vmem>>, vector<1x16xf32>,
          %get3A_541 = vector.shape_cast %get3A_540 : vector<1x16xf32> to vector<16xf32>
          %add3A_542 = arith.addf %scan3A_484, %get3A_541 : vector<16xf32>
          %get3A_543 = arith.index_cast %scan3A_474 : i32 to index
          %get3A_544 = arith.constant 160 : index
          %get3A_545 = tpu.vector_load %arg12[%get3A_543, %get3A_544] {strides = array<i32>} : memref<56x384xf32, #tpu.memory_space<vmem>>, vector<1x16xf32>,
          %get3A_546 = vector.shape_cast %get3A_545 : vector<1x16xf32> to vector<16xf32>
          %add3A_547 = arith.addf %scan3A_485, %get3A_546 : vector<16xf32>
          %get3A_548 = arith.index_cast %scan3A_474 : i32 to index
          %get3A_549 = arith.constant 176 : index
          %get3A_550 = tpu.vector_load %arg12[%get3A_548, %get3A_549] {strides = array<i32>} : memref<56x384xf32, #tpu.memory_space<vmem>>, vector<1x16xf32>,
          %get3A_551 = vector.shape_cast %get3A_550 : vector<1x16xf32> to vector<16xf32>
          %add3A_552 = arith.addf %scan3A_486, %get3A_551 : vector<16xf32>
          %get3A_553 = arith.index_cast %scan3A_474 : i32 to index
          %get3A_554 = arith.constant 192 : index
          %get3A_555 = tpu.vector_load %arg12[%get3A_553, %get3A_554] {strides = array<i32>} : memref<56x384xf32, #tpu.memory_space<vmem>>, vector<1x16xf32>,
          %get3A_556 = vector.shape_cast %get3A_555 : vector<1x16xf32> to vector<16xf32>
          %add3A_557 = arith.addf %scan3A_487, %get3A_556 : vector<16xf32>
          %get3A_558 = arith.index_cast %scan3A_474 : i32 to index
          %get3A_559 = arith.constant 208 : index
          %get3A_560 = tpu.vector_load %arg12[%get3A_558, %get3A_559] {strides = array<i32>} : memref<56x384xf32, #tpu.memory_space<vmem>>, vector<1x16xf32>,
          %get3A_561 = vector.shape_cast %get3A_560 : vector<1x16xf32> to vector<16xf32>
          %add3A_562 = arith.addf %scan3A_488, %get3A_561 : vector<16xf32>
          %get3A_563 = arith.index_cast %scan3A_474 : i32 to index
          %get3A_564 = arith.constant 224 : index
          %get3A_565 = tpu.vector_load %arg12[%get3A_563, %get3A_564] {strides = array<i32>} : memref<56x384xf32, #tpu.memory_space<vmem>>, vector<1x16xf32>,
          %get3A_566 = vector.shape_cast %get3A_565 : vector<1x16xf32> to vector<16xf32>
          %add3A_567 = arith.addf %scan3A_489, %get3A_566 : vector<16xf32>
          %get3A_568 = arith.index_cast %scan3A_474 : i32 to index
          %get3A_569 = arith.constant 240 : index
          %get3A_570 = tpu.vector_load %arg12[%get3A_568, %get3A_569] {strides = array<i32>} : memref<56x384xf32, #tpu.memory_space<vmem>>, vector<1x16xf32>,
          %get3A_571 = vector.shape_cast %get3A_570 : vector<1x16xf32> to vector<16xf32>
          %add3A_572 = arith.addf %scan3A_490, %get3A_571 : vector<16xf32>
          %get3A_573 = arith.index_cast %scan3A_474 : i32 to index
          %get3A_574 = arith.constant 256 : index
          %get3A_575 = tpu.vector_load %arg12[%get3A_573, %get3A_574] {strides = array<i32>} : memref<56x384xf32, #tpu.memory_space<vmem>>, vector<1x16xf32>,
          %get3A_576 = vector.shape_cast %get3A_575 : vector<1x16xf32> to vector<16xf32>
          %add3A_577 = arith.addf %scan3A_491, %get3A_576 : vector<16xf32>
          %get3A_578 = arith.index_cast %scan3A_474 : i32 to index
          %get3A_579 = arith.constant 272 : index
          %get3A_580 = tpu.vector_load %arg12[%get3A_578, %get3A_579] {strides = array<i32>} : memref<56x384xf32, #tpu.memory_space<vmem>>, vector<1x16xf32>,
          %get3A_581 = vector.shape_cast %get3A_580 : vector<1x16xf32> to vector<16xf32>
          %add3A_582 = arith.addf %scan3A_492, %get3A_581 : vector<16xf32>
          %get3A_583 = arith.index_cast %scan3A_474 : i32 to index
          %get3A_584 = arith.constant 288 : index
          %get3A_585 = tpu.vector_load %arg12[%get3A_583, %get3A_584] {strides = array<i32>} : memref<56x384xf32, #tpu.memory_space<vmem>>, vector<1x16xf32>,
          %get3A_586 = vector.shape_cast %get3A_585 : vector<1x16xf32> to vector<16xf32>
          %add3A_587 = arith.addf %scan3A_493, %get3A_586 : vector<16xf32>
          scf.yield %add3A_497, %add3A_502, %add3A_507, %add3A_512, %add3A_517, %add3A_522, %add3A_527, %add3A_532, %add3A_537, %add3A_542, %add3A_547, %add3A_552, %add3A_557, %add3A_562, %add3A_567, %add3A_572, %add3A_577, %add3A_582, %add3A_587 : vector<16xf32>, vector<16xf32>, vector<16xf32>, vector<16xf32>, vector<16xf32>, vector<16xf32>, vector<16xf32>, vector<16xf32>, vector<16xf32>, vector<16xf32>, vector<16xf32>, vector<16xf32>, vector<16xf32>, vector<16xf32>, vector<16xf32>, vector<16xf32>, vector<16xf32>, vector<16xf32>, vector<16xf32>
        }
        %scan3A_39 = arith.constant 50 : i32
        %mul3A_40 = vector.broadcast %scan3A_4 : f32 to vector<16xf32>
        %mul3A_41 = arith.mulf %scan3A_38#0, %mul3A_40 : vector<16xf32>
        %swap3A = arith.index_cast %scan3A_20 : i32 to index
        %swap3A_42 = arith.constant 0 : index
        %swap3A_43 = tpu.vector_load %arg13[%swap3A, %swap3A_42] {strides = array<i32>} : memref<8x912xf32, #tpu.memory_space<vmem>>, vector<1x16xf32>,
        %swap3A_44 = vector.shape_cast %swap3A_43 : vector<1x16xf32> to vector<16xf32>
        %swap3A_45 = vector.shape_cast %mul3A_41 : vector<16xf32> to vector<1x16xf32>
        tpu.vector_store %arg13[%swap3A, %swap3A_42], %swap3A_45 {strides = array<i32>} : memref<8x912xf32, #tpu.memory_space<vmem>>, vector<1x16xf32>,
        %mul3A_46 = vector.broadcast %scan3A_4 : f32 to vector<16xf32>
        %mul3A_47 = arith.mulf %scan3A_38#1, %mul3A_46 : vector<16xf32>
        %swap3A_48 = arith.index_cast %scan3A_20 : i32 to index
        %swap3A_49 = arith.constant 16 : index
        %swap3A_50 = tpu.vector_load %arg13[%swap3A_48, %swap3A_49] {strides = array<i32>} : memref<8x912xf32, #tpu.memory_space<vmem>>, vector<1x16xf32>,
        %swap3A_51 = vector.shape_cast %swap3A_50 : vector<1x16xf32> to vector<16xf32>
        %swap3A_52 = vector.shape_cast %mul3A_47 : vector<16xf32> to vector<1x16xf32>
        tpu.vector_store %arg13[%swap3A_48, %swap3A_49], %swap3A_52 {strides = array<i32>} : memref<8x912xf32, #tpu.memory_space<vmem>>, vector<1x16xf32>,
        %mul3A_53 = vector.broadcast %scan3A_4 : f32 to vector<16xf32>
        %mul3A_54 = arith.mulf %scan3A_38#2, %mul3A_53 : vector<16xf32>
        %swap3A_55 = arith.index_cast %scan3A_20 : i32 to index
        %swap3A_56 = arith.constant 32 : index
        %swap3A_57 = tpu.vector_load %arg13[%swap3A_55, %swap3A_56] {strides = array<i32>} : memref<8x912xf32, #tpu.memory_space<vmem>>, vector<1x16xf32>,
        %swap3A_58 = vector.shape_cast %swap3A_57 : vector<1x16xf32> to vector<16xf32>
        %swap3A_59 = vector.shape_cast %mul3A_54 : vector<16xf32> to vector<1x16xf32>
        tpu.vector_store %arg13[%swap3A_55, %swap3A_56], %swap3A_59 {strides = array<i32>} : memref<8x912xf32, #tpu.memory_space<vmem>>, vector<1x16xf32>,
        %mul3A_60 = vector.broadcast %scan3A_4 : f32 to vector<16xf32>
        %mul3A_61 = arith.mulf %scan3A_38#3, %mul3A_60 : vector<16xf32>
        %swap3A_62 = arith.index_cast %scan3A_20 : i32 to index
        %swap3A_63 = arith.constant 48 : index
        %swap3A_64 = tpu.vector_load %arg13[%swap3A_62, %swap3A_63] {strides = array<i32>} : memref<8x912xf32, #tpu.memory_space<vmem>>, vector<1x16xf32>,
        %swap3A_65 = vector.shape_cast %swap3A_64 : vector<1x16xf32> to vector<16xf32>
        %swap3A_66 = vector.shape_cast %mul3A_61 : vector<16xf32> to vector<1x16xf32>
        tpu.vector_store %arg13[%swap3A_62, %swap3A_63], %swap3A_66 {strides = array<i32>} : memref<8x912xf32, #tpu.memory_space<vmem>>, vector<1x16xf32>,
        %mul3A_67 = vector.broadcast %scan3A_4 : f32 to vector<16xf32>
        %mul3A_68 = arith.mulf %scan3A_38#4, %mul3A_67 : vector<16xf32>
        %swap3A_69 = arith.index_cast %scan3A_20 : i32 to index
        %swap3A_70 = arith.constant 64 : index
        %swap3A_71 = tpu.vector_load %arg13[%swap3A_69, %swap3A_70] {strides = array<i32>} : memref<8x912xf32, #tpu.memory_space<vmem>>, vector<1x16xf32>,
        %swap3A_72 = vector.shape_cast %swap3A_71 : vector<1x16xf32> to vector<16xf32>
        %swap3A_73 = vector.shape_cast %mul3A_68 : vector<16xf32> to vector<1x16xf32>
        tpu.vector_store %arg13[%swap3A_69, %swap3A_70], %swap3A_73 {strides = array<i32>} : memref<8x912xf32, #tpu.memory_space<vmem>>, vector<1x16xf32>,
        %mul3A_74 = vector.broadcast %scan3A_4 : f32 to vector<16xf32>
        %mul3A_75 = arith.mulf %scan3A_38#5, %mul3A_74 : vector<16xf32>
        %swap3A_76 = arith.index_cast %scan3A_20 : i32 to index
        %swap3A_77 = arith.constant 80 : index
        %swap3A_78 = tpu.vector_load %arg13[%swap3A_76, %swap3A_77] {strides = array<i32>} : memref<8x912xf32, #tpu.memory_space<vmem>>, vector<1x16xf32>,
        %swap3A_79 = vector.shape_cast %swap3A_78 : vector<1x16xf32> to vector<16xf32>
        %swap3A_80 = vector.shape_cast %mul3A_75 : vector<16xf32> to vector<1x16xf32>
        tpu.vector_store %arg13[%swap3A_76, %swap3A_77], %swap3A_80 {strides = array<i32>} : memref<8x912xf32, #tpu.memory_space<vmem>>, vector<1x16xf32>,
        %mul3A_81 = vector.broadcast %scan3A_4 : f32 to vector<16xf32>
        %mul3A_82 = arith.mulf %scan3A_38#6, %mul3A_81 : vector<16xf32>
        %swap3A_83 = arith.index_cast %scan3A_20 : i32 to index
        %swap3A_84 = arith.constant 96 : index
        %swap3A_85 = tpu.vector_load %arg13[%swap3A_83, %swap3A_84] {strides = array<i32>} : memref<8x912xf32, #tpu.memory_space<vmem>>, vector<1x16xf32>,
        %swap3A_86 = vector.shape_cast %swap3A_85 : vector<1x16xf32> to vector<16xf32>
        %swap3A_87 = vector.shape_cast %mul3A_82 : vector<16xf32> to vector<1x16xf32>
        tpu.vector_store %arg13[%swap3A_83, %swap3A_84], %swap3A_87 {strides = array<i32>} : memref<8x912xf32, #tpu.memory_space<vmem>>, vector<1x16xf32>,
        %mul3A_88 = vector.broadcast %scan3A_4 : f32 to vector<16xf32>
        %mul3A_89 = arith.mulf %scan3A_38#7, %mul3A_88 : vector<16xf32>
        %swap3A_90 = arith.index_cast %scan3A_20 : i32 to index
        %swap3A_91 = arith.constant 112 : index
        %swap3A_92 = tpu.vector_load %arg13[%swap3A_90, %swap3A_91] {strides = array<i32>} : memref<8x912xf32, #tpu.memory_space<vmem>>, vector<1x16xf32>,
        %swap3A_93 = vector.shape_cast %swap3A_92 : vector<1x16xf32> to vector<16xf32>
        %swap3A_94 = vector.shape_cast %mul3A_89 : vector<16xf32> to vector<1x16xf32>
        tpu.vector_store %arg13[%swap3A_90, %swap3A_91], %swap3A_94 {strides = array<i32>} : memref<8x912xf32, #tpu.memory_space<vmem>>, vector<1x16xf32>,
        %mul3A_95 = vector.broadcast %scan3A_4 : f32 to vector<16xf32>
        %mul3A_96 = arith.mulf %scan3A_38#8, %mul3A_95 : vector<16xf32>
        %swap3A_97 = arith.index_cast %scan3A_20 : i32 to index
        %swap3A_98 = arith.constant 128 : index
        %swap3A_99 = tpu.vector_load %arg13[%swap3A_97, %swap3A_98] {strides = array<i32>} : memref<8x912xf32, #tpu.memory_space<vmem>>, vector<1x16xf32>,
        %swap3A_100 = vector.shape_cast %swap3A_99 : vector<1x16xf32> to vector<16xf32>
        %swap3A_101 = vector.shape_cast %mul3A_96 : vector<16xf32> to vector<1x16xf32>
        tpu.vector_store %arg13[%swap3A_97, %swap3A_98], %swap3A_101 {strides = array<i32>} : memref<8x912xf32, #tpu.memory_space<vmem>>, vector<1x16xf32>,
        %mul3A_102 = vector.broadcast %scan3A_4 : f32 to vector<16xf32>
        %mul3A_103 = arith.mulf %scan3A_38#9, %mul3A_102 : vector<16xf32>
        %swap3A_104 = arith.index_cast %scan3A_20 : i32 to index
        %swap3A_105 = arith.constant 144 : index
        %swap3A_106 = tpu.vector_load %arg13[%swap3A_104, %swap3A_105] {strides = array<i32>} : memref<8x912xf32, #tpu.memory_space<vmem>>, vector<1x16xf32>,
        %swap3A_107 = vector.shape_cast %swap3A_106 : vector<1x16xf32> to vector<16xf32>
        %swap3A_108 = vector.shape_cast %mul3A_103 : vector<16xf32> to vector<1x16xf32>
        tpu.vector_store %arg13[%swap3A_104, %swap3A_105], %swap3A_108 {strides = array<i32>} : memref<8x912xf32, #tpu.memory_space<vmem>>, vector<1x16xf32>,
        %mul3A_109 = vector.broadcast %scan3A_4 : f32 to vector<16xf32>
        %mul3A_110 = arith.mulf %scan3A_38#10, %mul3A_109 : vector<16xf32>
        %swap3A_111 = arith.index_cast %scan3A_20 : i32 to index
        %swap3A_112 = arith.constant 160 : index
        %swap3A_113 = tpu.vector_load %arg13[%swap3A_111, %swap3A_112] {strides = array<i32>} : memref<8x912xf32, #tpu.memory_space<vmem>>, vector<1x16xf32>,
        %swap3A_114 = vector.shape_cast %swap3A_113 : vector<1x16xf32> to vector<16xf32>
        %swap3A_115 = vector.shape_cast %mul3A_110 : vector<16xf32> to vector<1x16xf32>
        tpu.vector_store %arg13[%swap3A_111, %swap3A_112], %swap3A_115 {strides = array<i32>} : memref<8x912xf32, #tpu.memory_space<vmem>>, vector<1x16xf32>,
        %mul3A_116 = vector.broadcast %scan3A_4 : f32 to vector<16xf32>
        %mul3A_117 = arith.mulf %scan3A_38#11, %mul3A_116 : vector<16xf32>
        %swap3A_118 = arith.index_cast %scan3A_20 : i32 to index
        %swap3A_119 = arith.constant 176 : index
        %swap3A_120 = tpu.vector_load %arg13[%swap3A_118, %swap3A_119] {strides = array<i32>} : memref<8x912xf32, #tpu.memory_space<vmem>>, vector<1x16xf32>,
        %swap3A_121 = vector.shape_cast %swap3A_120 : vector<1x16xf32> to vector<16xf32>
        %swap3A_122 = vector.shape_cast %mul3A_117 : vector<16xf32> to vector<1x16xf32>
        tpu.vector_store %arg13[%swap3A_118, %swap3A_119], %swap3A_122 {strides = array<i32>} : memref<8x912xf32, #tpu.memory_space<vmem>>, vector<1x16xf32>,
        %mul3A_123 = vector.broadcast %scan3A_4 : f32 to vector<16xf32>
        %mul3A_124 = arith.mulf %scan3A_38#12, %mul3A_123 : vector<16xf32>
        %swap3A_125 = arith.index_cast %scan3A_20 : i32 to index
        %swap3A_126 = arith.constant 192 : index
        %swap3A_127 = tpu.vector_load %arg13[%swap3A_125, %swap3A_126] {strides = array<i32>} : memref<8x912xf32, #tpu.memory_space<vmem>>, vector<1x16xf32>,
        %swap3A_128 = vector.shape_cast %swap3A_127 : vector<1x16xf32> to vector<16xf32>
        %swap3A_129 = vector.shape_cast %mul3A_124 : vector<16xf32> to vector<1x16xf32>
        tpu.vector_store %arg13[%swap3A_125, %swap3A_126], %swap3A_129 {strides = array<i32>} : memref<8x912xf32, #tpu.memory_space<vmem>>, vector<1x16xf32>,
        %mul3A_130 = vector.broadcast %scan3A_4 : f32 to vector<16xf32>
        %mul3A_131 = arith.mulf %scan3A_38#13, %mul3A_130 : vector<16xf32>
        %swap3A_132 = arith.index_cast %scan3A_20 : i32 to index
        %swap3A_133 = arith.constant 208 : index
        %swap3A_134 = tpu.vector_load %arg13[%swap3A_132, %swap3A_133] {strides = array<i32>} : memref<8x912xf32, #tpu.memory_space<vmem>>, vector<1x16xf32>,
        %swap3A_135 = vector.shape_cast %swap3A_134 : vector<1x16xf32> to vector<16xf32>
        %swap3A_136 = vector.shape_cast %mul3A_131 : vector<16xf32> to vector<1x16xf32>
        tpu.vector_store %arg13[%swap3A_132, %swap3A_133], %swap3A_136 {strides = array<i32>} : memref<8x912xf32, #tpu.memory_space<vmem>>, vector<1x16xf32>,
        %mul3A_137 = vector.broadcast %scan3A_4 : f32 to vector<16xf32>
        %mul3A_138 = arith.mulf %scan3A_38#14, %mul3A_137 : vector<16xf32>
        %swap3A_139 = arith.index_cast %scan3A_20 : i32 to index
        %swap3A_140 = arith.constant 224 : index
        %swap3A_141 = tpu.vector_load %arg13[%swap3A_139, %swap3A_140] {strides = array<i32>} : memref<8x912xf32, #tpu.memory_space<vmem>>, vector<1x16xf32>,
        %swap3A_142 = vector.shape_cast %swap3A_141 : vector<1x16xf32> to vector<16xf32>
        %swap3A_143 = vector.shape_cast %mul3A_138 : vector<16xf32> to vector<1x16xf32>
        tpu.vector_store %arg13[%swap3A_139, %swap3A_140], %swap3A_143 {strides = array<i32>} : memref<8x912xf32, #tpu.memory_space<vmem>>, vector<1x16xf32>,
        %mul3A_144 = vector.broadcast %scan3A_4 : f32 to vector<16xf32>
        %mul3A_145 = arith.mulf %scan3A_38#15, %mul3A_144 : vector<16xf32>
        %swap3A_146 = arith.index_cast %scan3A_20 : i32 to index
        %swap3A_147 = arith.constant 240 : index
        %swap3A_148 = tpu.vector_load %arg13[%swap3A_146, %swap3A_147] {strides = array<i32>} : memref<8x912xf32, #tpu.memory_space<vmem>>, vector<1x16xf32>,
        %swap3A_149 = vector.shape_cast %swap3A_148 : vector<1x16xf32> to vector<16xf32>
        %swap3A_150 = vector.shape_cast %mul3A_145 : vector<16xf32> to vector<1x16xf32>
        tpu.vector_store %arg13[%swap3A_146, %swap3A_147], %swap3A_150 {strides = array<i32>} : memref<8x912xf32, #tpu.memory_space<vmem>>, vector<1x16xf32>,
        %mul3A_151 = vector.broadcast %scan3A_4 : f32 to vector<16xf32>
        %mul3A_152 = arith.mulf %scan3A_38#16, %mul3A_151 : vector<16xf32>
        %swap3A_153 = arith.index_cast %scan3A_20 : i32 to index
        %swap3A_154 = arith.constant 256 : index
        %swap3A_155 = tpu.vector_load %arg13[%swap3A_153, %swap3A_154] {strides = array<i32>} : memref<8x912xf32, #tpu.memory_space<vmem>>, vector<1x16xf32>,
        %swap3A_156 = vector.shape_cast %swap3A_155 : vector<1x16xf32> to vector<16xf32>
        %swap3A_157 = vector.shape_cast %mul3A_152 : vector<16xf32> to vector<1x16xf32>
        tpu.vector_store %arg13[%swap3A_153, %swap3A_154], %swap3A_157 {strides = array<i32>} : memref<8x912xf32, #tpu.memory_space<vmem>>, vector<1x16xf32>,
        %mul3A_158 = vector.broadcast %scan3A_4 : f32 to vector<16xf32>
        %mul3A_159 = arith.mulf %scan3A_38#17, %mul3A_158 : vector<16xf32>
        %swap3A_160 = arith.index_cast %scan3A_20 : i32 to index
        %swap3A_161 = arith.constant 272 : index
        %swap3A_162 = tpu.vector_load %arg13[%swap3A_160, %swap3A_161] {strides = array<i32>} : memref<8x912xf32, #tpu.memory_space<vmem>>, vector<1x16xf32>,
        %swap3A_163 = vector.shape_cast %swap3A_162 : vector<1x16xf32> to vector<16xf32>
        %swap3A_164 = vector.shape_cast %mul3A_159 : vector<16xf32> to vector<1x16xf32>
        tpu.vector_store %arg13[%swap3A_160, %swap3A_161], %swap3A_164 {strides = array<i32>} : memref<8x912xf32, #tpu.memory_space<vmem>>, vector<1x16xf32>,
        %mul3A_165 = vector.broadcast %scan3A_4 : f32 to vector<16xf32>
        %mul3A_166 = arith.mulf %scan3A_38#18, %mul3A_165 : vector<16xf32>
        %swap3A_167 = arith.index_cast %scan3A_20 : i32 to index
        %swap3A_168 = arith.constant 288 : index
        %swap3A_169 = tpu.vector_load %arg13[%swap3A_167, %swap3A_168] {strides = array<i32>} : memref<8x912xf32, #tpu.memory_space<vmem>>, vector<1x16xf32>,
        %swap3A_170 = vector.shape_cast %swap3A_169 : vector<1x16xf32> to vector<16xf32>
        %swap3A_171 = vector.shape_cast %mul3A_166 : vector<16xf32> to vector<1x16xf32>
        tpu.vector_store %arg13[%swap3A_167, %swap3A_168], %swap3A_171 {strides = array<i32>} : memref<8x912xf32, #tpu.memory_space<vmem>>, vector<1x16xf32>,
        %dma_start3A_172 = arith.constant 0 : i32
        %dma_start3A_173 = tpu.memref_slice %arg10[%add3A_23, %dma_start3A_172] : memref<128x56xi32, #tpu.memory_space<vmem>> -> memref<1x56xi32, #tpu.memory_space<vmem>>
        %dma_start3A_174 = tpu.memref_squeeze %dma_start3A_173 : memref<1x56xi32, #tpu.memory_space<vmem>> -> memref<56xi32, #tpu.memory_space<vmem>>
        %dma_start3A_175 = arith.constant 0 : i32
        %dma_start3A_176 = arith.constant 0 : i32
        %dma_start3A_177 = tpu.memref_slice %arg6[%dma_start3A_175, %dma_start3A_176] : memref<250499x384xf32, #tpu.memory_space<hbm>> -> memref<250499x384xf32, #tpu.memory_space<hbm>>
        tpu.enqueue_indirect_dma source(%dma_start3A_177 : memref<250499x384xf32, #tpu.memory_space<hbm>>) target(%arg12 : memref<56x384xf32, #tpu.memory_space<vmem>>) offsets(%dma_start3A_174 : memref<56xi32, #tpu.memory_space<vmem>>) semaphore(%arg14 : memref<!tpu.dma_semaphore, #tpu.memory_space<semaphore_mem>>)
        %dma_wait3A_178 = arith.constant 0 : i32
        %dma_wait3A_179 = tpu.memref_slice %arg10[%add3A_23, %dma_wait3A_178] : memref<128x56xi32, #tpu.memory_space<vmem>> -> memref<1x56xi32, #tpu.memory_space<vmem>>
        %dma_wait3A_180 = tpu.memref_squeeze %dma_wait3A_179 : memref<1x56xi32, #tpu.memory_space<vmem>> -> memref<56xi32, #tpu.memory_space<vmem>>
        %dma_wait3A_181 = arith.constant 0 : i32
        %dma_wait3A_182 = arith.constant 0 : i32
        %dma_wait3A_183 = tpu.memref_slice %arg6[%dma_wait3A_181, %dma_wait3A_182] : memref<250499x384xf32, #tpu.memory_space<hbm>> -> memref<250499x384xf32, #tpu.memory_space<hbm>>
        tpu.wait_indirect_dma semaphore(%arg14 : memref<!tpu.dma_semaphore, #tpu.memory_space<semaphore_mem>>) src(%dma_wait3A_183 : memref<250499x384xf32, #tpu.memory_space<hbm>>) dst(%arg12 : memref<56x384xf32, #tpu.memory_space<vmem>>)
        %scan3A_184 = arith.constant 0 : i32
        %scan3A_185 = arith.constant 50 : i32
        %scan3A_186 = arith.addi %scan3A_184, %scan3A_185 : i32
        %scan3A_187 = arith.constant 1 : i32
        %scan3A_188:19 = scf.for %scan3A_474 = %scan3A_184 to %scan3A_186 step %scan3A_187 iter_args(%scan3A_475 = %broadcast_in_dim3A_3, %scan3A_476 = %broadcast_in_dim3A_3, %scan3A_477 = %broadcast_in_dim3A_3, %scan3A_478 = %broadcast_in_dim3A_3, %scan3A_479 = %broadcast_in_dim3A_3, %scan3A_480 = %broadcast_in_dim3A_3, %scan3A_481 = %broadcast_in_dim3A_3, %scan3A_482 = %broadcast_in_dim3A_3, %scan3A_483 = %broadcast_in_dim3A_3, %scan3A_484 = %broadcast_in_dim3A_3, %scan3A_485 = %broadcast_in_dim3A_3, %scan3A_486 = %broadcast_in_dim3A_3, %scan3A_487 = %broadcast_in_dim3A_3, %scan3A_488 = %broadcast_in_dim3A_3, %scan3A_489 = %broadcast_in_dim3A_3, %scan3A_490 = %broadcast_in_dim3A_3, %scan3A_491 = %broadcast_in_dim3A_3, %scan3A_492 = %broadcast_in_dim3A_3, %scan3A_493 = %broadcast_in_dim3A_3) -> (vector<16xf32>, vector<16xf32>, vector<16xf32>, vector<16xf32>, vector<16xf32>, vector<16xf32>, vector<16xf32>, vector<16xf32>, vector<16xf32>, vector<16xf32>, vector<16xf32>, vector<16xf32>, vector<16xf32>, vector<16xf32>, vector<16xf32>, vector<16xf32>, vector<16xf32>, vector<16xf32>, vector<16xf32>)  : i32 {
          %get3A = arith.index_cast %scan3A_474 : i32 to index
          %get3A_494 = arith.constant 0 : index
          %get3A_495 = tpu.vector_load %arg12[%get3A, %get3A_494] {strides = array<i32>} : memref<56x384xf32, #tpu.memory_space<vmem>>, vector<1x16xf32>,
          %get3A_496 = vector.shape_cast %get3A_495 : vector<1x16xf32> to vector<16xf32>
          %add3A_497 = arith.addf %scan3A_475, %get3A_496 : vector<16xf32>
          %get3A_498 = arith.index_cast %scan3A_474 : i32 to index
          %get3A_499 = arith.constant 16 : index
          %get3A_500 = tpu.vector_load %arg12[%get3A_498, %get3A_499] {strides = array<i32>} : memref<56x384xf32, #tpu.memory_space<vmem>>, vector<1x16xf32>,
          %get3A_501 = vector.shape_cast %get3A_500 : vector<1x16xf32> to vector<16xf32>
          %add3A_502 = arith.addf %scan3A_476, %get3A_501 : vector<16xf32>
          %get3A_503 = arith.index_cast %scan3A_474 : i32 to index
          %get3A_504 = arith.constant 32 : index
          %get3A_505 = tpu.vector_load %arg12[%get3A_503, %get3A_504] {strides = array<i32>} : memref<56x384xf32, #tpu.memory_space<vmem>>, vector<1x16xf32>,
          %get3A_506 = vector.shape_cast %get3A_505 : vector<1x16xf32> to vector<16xf32>
          %add3A_507 = arith.addf %scan3A_477, %get3A_506 : vector<16xf32>
          %get3A_508 = arith.index_cast %scan3A_474 : i32 to index
          %get3A_509 = arith.constant 48 : index
          %get3A_510 = tpu.vector_load %arg12[%get3A_508, %get3A_509] {strides = array<i32>} : memref<56x384xf32, #tpu.memory_space<vmem>>, vector<1x16xf32>,
          %get3A_511 = vector.shape_cast %get3A_510 : vector<1x16xf32> to vector<16xf32>
          %add3A_512 = arith.addf %scan3A_478, %get3A_511 : vector<16xf32>
          %get3A_513 = arith.index_cast %scan3A_474 : i32 to index
          %get3A_514 = arith.constant 64 : index
          %get3A_515 = tpu.vector_load %arg12[%get3A_513, %get3A_514] {strides = array<i32>} : memref<56x384xf32, #tpu.memory_space<vmem>>, vector<1x16xf32>,
          %get3A_516 = vector.shape_cast %get3A_515 : vector<1x16xf32> to vector<16xf32>
          %add3A_517 = arith.addf %scan3A_479, %get3A_516 : vector<16xf32>
          %get3A_518 = arith.index_cast %scan3A_474 : i32 to index
          %get3A_519 = arith.constant 80 : index
          %get3A_520 = tpu.vector_load %arg12[%get3A_518, %get3A_519] {strides = array<i32>} : memref<56x384xf32, #tpu.memory_space<vmem>>, vector<1x16xf32>,
          %get3A_521 = vector.shape_cast %get3A_520 : vector<1x16xf32> to vector<16xf32>
          %add3A_522 = arith.addf %scan3A_480, %get3A_521 : vector<16xf32>
          %get3A_523 = arith.index_cast %scan3A_474 : i32 to index
          %get3A_524 = arith.constant 96 : index
          %get3A_525 = tpu.vector_load %arg12[%get3A_523, %get3A_524] {strides = array<i32>} : memref<56x384xf32, #tpu.memory_space<vmem>>, vector<1x16xf32>,
          %get3A_526 = vector.shape_cast %get3A_525 : vector<1x16xf32> to vector<16xf32>
          %add3A_527 = arith.addf %scan3A_481, %get3A_526 : vector<16xf32>
          %get3A_528 = arith.index_cast %scan3A_474 : i32 to index
          %get3A_529 = arith.constant 112 : index
          %get3A_530 = tpu.vector_load %arg12[%get3A_528, %get3A_529] {strides = array<i32>} : memref<56x384xf32, #tpu.memory_space<vmem>>, vector<1x16xf32>,
          %get3A_531 = vector.shape_cast %get3A_530 : vector<1x16xf32> to vector<16xf32>
          %add3A_532 = arith.addf %scan3A_482, %get3A_531 : vector<16xf32>
          %get3A_533 = arith.index_cast %scan3A_474 : i32 to index
          %get3A_534 = arith.constant 128 : index
          %get3A_535 = tpu.vector_load %arg12[%get3A_533, %get3A_534] {strides = array<i32>} : memref<56x384xf32, #tpu.memory_space<vmem>>, vector<1x16xf32>,
          %get3A_536 = vector.shape_cast %get3A_535 : vector<1x16xf32> to vector<16xf32>
          %add3A_537 = arith.addf %scan3A_483, %get3A_536 : vector<16xf32>
          %get3A_538 = arith.index_cast %scan3A_474 : i32 to index
          %get3A_539 = arith.constant 144 : index
          %get3A_540 = tpu.vector_load %arg12[%get3A_538, %get3A_539] {strides = array<i32>} : memref<56x384xf32, #tpu.memory_space<vmem>>, vector<1x16xf32>,
          %get3A_541 = vector.shape_cast %get3A_540 : vector<1x16xf32> to vector<16xf32>
          %add3A_542 = arith.addf %scan3A_484, %get3A_541 : vector<16xf32>
          %get3A_543 = arith.index_cast %scan3A_474 : i32 to index
          %get3A_544 = arith.constant 160 : index
          %get3A_545 = tpu.vector_load %arg12[%get3A_543, %get3A_544] {strides = array<i32>} : memref<56x384xf32, #tpu.memory_space<vmem>>, vector<1x16xf32>,
          %get3A_546 = vector.shape_cast %get3A_545 : vector<1x16xf32> to vector<16xf32>
          %add3A_547 = arith.addf %scan3A_485, %get3A_546 : vector<16xf32>
          %get3A_548 = arith.index_cast %scan3A_474 : i32 to index
          %get3A_549 = arith.constant 176 : index
          %get3A_550 = tpu.vector_load %arg12[%get3A_548, %get3A_549] {strides = array<i32>} : memref<56x384xf32, #tpu.memory_space<vmem>>, vector<1x16xf32>,
          %get3A_551 = vector.shape_cast %get3A_550 : vector<1x16xf32> to vector<16xf32>
          %add3A_552 = arith.addf %scan3A_486, %get3A_551 : vector<16xf32>
          %get3A_553 = arith.index_cast %scan3A_474 : i32 to index
          %get3A_554 = arith.constant 192 : index
          %get3A_555 = tpu.vector_load %arg12[%get3A_553, %get3A_554] {strides = array<i32>} : memref<56x384xf32, #tpu.memory_space<vmem>>, vector<1x16xf32>,
          %get3A_556 = vector.shape_cast %get3A_555 : vector<1x16xf32> to vector<16xf32>
          %add3A_557 = arith.addf %scan3A_487, %get3A_556 : vector<16xf32>
          %get3A_558 = arith.index_cast %scan3A_474 : i32 to index
          %get3A_559 = arith.constant 208 : index
          %get3A_560 = tpu.vector_load %arg12[%get3A_558, %get3A_559] {strides = array<i32>} : memref<56x384xf32, #tpu.memory_space<vmem>>, vector<1x16xf32>,
          %get3A_561 = vector.shape_cast %get3A_560 : vector<1x16xf32> to vector<16xf32>
          %add3A_562 = arith.addf %scan3A_488, %get3A_561 : vector<16xf32>
          %get3A_563 = arith.index_cast %scan3A_474 : i32 to index
          %get3A_564 = arith.constant 224 : index
          %get3A_565 = tpu.vector_load %arg12[%get3A_563, %get3A_564] {strides = array<i32>} : memref<56x384xf32, #tpu.memory_space<vmem>>, vector<1x16xf32>,
          %get3A_566 = vector.shape_cast %get3A_565 : vector<1x16xf32> to vector<16xf32>
          %add3A_567 = arith.addf %scan3A_489, %get3A_566 : vector<16xf32>
          %get3A_568 = arith.index_cast %scan3A_474 : i32 to index
          %get3A_569 = arith.constant 240 : index
          %get3A_570 = tpu.vector_load %arg12[%get3A_568, %get3A_569] {strides = array<i32>} : memref<56x384xf32, #tpu.memory_space<vmem>>, vector<1x16xf32>,
          %get3A_571 = vector.shape_cast %get3A_570 : vector<1x16xf32> to vector<16xf32>
          %add3A_572 = arith.addf %scan3A_490, %get3A_571 : vector<16xf32>
          %get3A_573 = arith.index_cast %scan3A_474 : i32 to index
          %get3A_574 = arith.constant 256 : index
          %get3A_575 = tpu.vector_load %arg12[%get3A_573, %get3A_574] {strides = array<i32>} : memref<56x384xf32, #tpu.memory_space<vmem>>, vector<1x16xf32>,
          %get3A_576 = vector.shape_cast %get3A_575 : vector<1x16xf32> to vector<16xf32>
          %add3A_577 = arith.addf %scan3A_491, %get3A_576 : vector<16xf32>
          %get3A_578 = arith.index_cast %scan3A_474 : i32 to index
          %get3A_579 = arith.constant 272 : index
          %get3A_580 = tpu.vector_load %arg12[%get3A_578, %get3A_579] {strides = array<i32>} : memref<56x384xf32, #tpu.memory_space<vmem>>, vector<1x16xf32>,
          %get3A_581 = vector.shape_cast %get3A_580 : vector<1x16xf32> to vector<16xf32>
          %add3A_582 = arith.addf %scan3A_492, %get3A_581 : vector<16xf32>
          %get3A_583 = arith.index_cast %scan3A_474 : i32 to index
          %get3A_584 = arith.constant 288 : index
          %get3A_585 = tpu.vector_load %arg12[%get3A_583, %get3A_584] {strides = array<i32>} : memref<56x384xf32, #tpu.memory_space<vmem>>, vector<1x16xf32>,
          %get3A_586 = vector.shape_cast %get3A_585 : vector<1x16xf32> to vector<16xf32>
          %add3A_587 = arith.addf %scan3A_493, %get3A_586 : vector<16xf32>
          scf.yield %add3A_497, %add3A_502, %add3A_507, %add3A_512, %add3A_517, %add3A_522, %add3A_527, %add3A_532, %add3A_537, %add3A_542, %add3A_547, %add3A_552, %add3A_557, %add3A_562, %add3A_567, %add3A_572, %add3A_577, %add3A_582, %add3A_587 : vector<16xf32>, vector<16xf32>, vector<16xf32>, vector<16xf32>, vector<16xf32>, vector<16xf32>, vector<16xf32>, vector<16xf32>, vector<16xf32>, vector<16xf32>, vector<16xf32>, vector<16xf32>, vector<16xf32>, vector<16xf32>, vector<16xf32>, vector<16xf32>, vector<16xf32>, vector<16xf32>, vector<16xf32>
        }
        %scan3A_189 = arith.constant 50 : i32
        %mul3A_190 = vector.broadcast %scan3A_4 : f32 to vector<16xf32>
        %mul3A_191 = arith.mulf %scan3A_188#0, %mul3A_190 : vector<16xf32>
        %swap3A_192 = arith.index_cast %scan3A_20 : i32 to index
        %swap3A_193 = arith.constant 304 : index
        %swap3A_194 = tpu.vector_load %arg13[%swap3A_192, %swap3A_193] {strides = array<i32>} : memref<8x912xf32, #tpu.memory_space<vmem>>, vector<1x16xf32>,
        %swap3A_195 = vector.shape_cast %swap3A_194 : vector<1x16xf32> to vector<16xf32>
        %swap3A_196 = vector.shape_cast %mul3A_191 : vector<16xf32> to vector<1x16xf32>
        tpu.vector_store %arg13[%swap3A_192, %swap3A_193], %swap3A_196 {strides = array<i32>} : memref<8x912xf32, #tpu.memory_space<vmem>>, vector<1x16xf32>,
        %mul3A_197 = vector.broadcast %scan3A_4 : f32 to vector<16xf32>
        %mul3A_198 = arith.mulf %scan3A_188#1, %mul3A_197 : vector<16xf32>
        %swap3A_199 = arith.index_cast %scan3A_20 : i32 to index
        %swap3A_200 = arith.constant 320 : index
        %swap3A_201 = tpu.vector_load %arg13[%swap3A_199, %swap3A_200] {strides = array<i32>} : memref<8x912xf32, #tpu.memory_space<vmem>>, vector<1x16xf32>,
        %swap3A_202 = vector.shape_cast %swap3A_201 : vector<1x16xf32> to vector<16xf32>
        %swap3A_203 = vector.shape_cast %mul3A_198 : vector<16xf32> to vector<1x16xf32>
        tpu.vector_store %arg13[%swap3A_199, %swap3A_200], %swap3A_203 {strides = array<i32>} : memref<8x912xf32, #tpu.memory_space<vmem>>, vector<1x16xf32>,
        %mul3A_204 = vector.broadcast %scan3A_4 : f32 to vector<16xf32>
        %mul3A_205 = arith.mulf %scan3A_188#2, %mul3A_204 : vector<16xf32>
        %swap3A_206 = arith.index_cast %scan3A_20 : i32 to index
        %swap3A_207 = arith.constant 336 : index
        %swap3A_208 = tpu.vector_load %arg13[%swap3A_206, %swap3A_207] {strides = array<i32>} : memref<8x912xf32, #tpu.memory_space<vmem>>, vector<1x16xf32>,
        %swap3A_209 = vector.shape_cast %swap3A_208 : vector<1x16xf32> to vector<16xf32>
        %swap3A_210 = vector.shape_cast %mul3A_205 : vector<16xf32> to vector<1x16xf32>
        tpu.vector_store %arg13[%swap3A_206, %swap3A_207], %swap3A_210 {strides = array<i32>} : memref<8x912xf32, #tpu.memory_space<vmem>>, vector<1x16xf32>,
        %mul3A_211 = vector.broadcast %scan3A_4 : f32 to vector<16xf32>
        %mul3A_212 = arith.mulf %scan3A_188#3, %mul3A_211 : vector<16xf32>
        %swap3A_213 = arith.index_cast %scan3A_20 : i32 to index
        %swap3A_214 = arith.constant 352 : index
        %swap3A_215 = tpu.vector_load %arg13[%swap3A_213, %swap3A_214] {strides = array<i32>} : memref<8x912xf32, #tpu.memory_space<vmem>>, vector<1x16xf32>,
        %swap3A_216 = vector.shape_cast %swap3A_215 : vector<1x16xf32> to vector<16xf32>
        %swap3A_217 = vector.shape_cast %mul3A_212 : vector<16xf32> to vector<1x16xf32>
        tpu.vector_store %arg13[%swap3A_213, %swap3A_214], %swap3A_217 {strides = array<i32>} : memref<8x912xf32, #tpu.memory_space<vmem>>, vector<1x16xf32>,
        %mul3A_218 = vector.broadcast %scan3A_4 : f32 to vector<16xf32>
        %mul3A_219 = arith.mulf %scan3A_188#4, %mul3A_218 : vector<16xf32>
        %swap3A_220 = arith.index_cast %scan3A_20 : i32 to index
        %swap3A_221 = arith.constant 368 : index
        %swap3A_222 = tpu.vector_load %arg13[%swap3A_220, %swap3A_221] {strides = array<i32>} : memref<8x912xf32, #tpu.memory_space<vmem>>, vector<1x16xf32>,
        %swap3A_223 = vector.shape_cast %swap3A_222 : vector<1x16xf32> to vector<16xf32>
        %swap3A_224 = vector.shape_cast %mul3A_219 : vector<16xf32> to vector<1x16xf32>
        tpu.vector_store %arg13[%swap3A_220, %swap3A_221], %swap3A_224 {strides = array<i32>} : memref<8x912xf32, #tpu.memory_space<vmem>>, vector<1x16xf32>,
        %mul3A_225 = vector.broadcast %scan3A_4 : f32 to vector<16xf32>
        %mul3A_226 = arith.mulf %scan3A_188#5, %mul3A_225 : vector<16xf32>
        %swap3A_227 = arith.index_cast %scan3A_20 : i32 to index
        %swap3A_228 = arith.constant 384 : index
        %swap3A_229 = tpu.vector_load %arg13[%swap3A_227, %swap3A_228] {strides = array<i32>} : memref<8x912xf32, #tpu.memory_space<vmem>>, vector<1x16xf32>,
        %swap3A_230 = vector.shape_cast %swap3A_229 : vector<1x16xf32> to vector<16xf32>
        %swap3A_231 = vector.shape_cast %mul3A_226 : vector<16xf32> to vector<1x16xf32>
        tpu.vector_store %arg13[%swap3A_227, %swap3A_228], %swap3A_231 {strides = array<i32>} : memref<8x912xf32, #tpu.memory_space<vmem>>, vector<1x16xf32>,
        %mul3A_232 = vector.broadcast %scan3A_4 : f32 to vector<16xf32>
        %mul3A_233 = arith.mulf %scan3A_188#6, %mul3A_232 : vector<16xf32>
        %swap3A_234 = arith.index_cast %scan3A_20 : i32 to index
        %swap3A_235 = arith.constant 400 : index
        %swap3A_236 = tpu.vector_load %arg13[%swap3A_234, %swap3A_235] {strides = array<i32>} : memref<8x912xf32, #tpu.memory_space<vmem>>, vector<1x16xf32>,
        %swap3A_237 = vector.shape_cast %swap3A_236 : vector<1x16xf32> to vector<16xf32>
        %swap3A_238 = vector.shape_cast %mul3A_233 : vector<16xf32> to vector<1x16xf32>
        tpu.vector_store %arg13[%swap3A_234, %swap3A_235], %swap3A_238 {strides = array<i32>} : memref<8x912xf32, #tpu.memory_space<vmem>>, vector<1x16xf32>,
        %mul3A_239 = vector.broadcast %scan3A_4 : f32 to vector<16xf32>
        %mul3A_240 = arith.mulf %scan3A_188#7, %mul3A_239 : vector<16xf32>
        %swap3A_241 = arith.index_cast %scan3A_20 : i32 to index
        %swap3A_242 = arith.constant 416 : index
        %swap3A_243 = tpu.vector_load %arg13[%swap3A_241, %swap3A_242] {strides = array<i32>} : memref<8x912xf32, #tpu.memory_space<vmem>>, vector<1x16xf32>,
        %swap3A_244 = vector.shape_cast %swap3A_243 : vector<1x16xf32> to vector<16xf32>
        %swap3A_245 = vector.shape_cast %mul3A_240 : vector<16xf32> to vector<1x16xf32>
        tpu.vector_store %arg13[%swap3A_241, %swap3A_242], %swap3A_245 {strides = array<i32>} : memref<8x912xf32, #tpu.memory_space<vmem>>, vector<1x16xf32>,
        %mul3A_246 = vector.broadcast %scan3A_4 : f32 to vector<16xf32>
        %mul3A_247 = arith.mulf %scan3A_188#8, %mul3A_246 : vector<16xf32>
        %swap3A_248 = arith.index_cast %scan3A_20 : i32 to index
        %swap3A_249 = arith.constant 432 : index
        %swap3A_250 = tpu.vector_load %arg13[%swap3A_248, %swap3A_249] {strides = array<i32>} : memref<8x912xf32, #tpu.memory_space<vmem>>, vector<1x16xf32>,
        %swap3A_251 = vector.shape_cast %swap3A_250 : vector<1x16xf32> to vector<16xf32>
        %swap3A_252 = vector.shape_cast %mul3A_247 : vector<16xf32> to vector<1x16xf32>
        tpu.vector_store %arg13[%swap3A_248, %swap3A_249], %swap3A_252 {strides = array<i32>} : memref<8x912xf32, #tpu.memory_space<vmem>>, vector<1x16xf32>,
        %mul3A_253 = vector.broadcast %scan3A_4 : f32 to vector<16xf32>
        %mul3A_254 = arith.mulf %scan3A_188#9, %mul3A_253 : vector<16xf32>
        %swap3A_255 = arith.index_cast %scan3A_20 : i32 to index
        %swap3A_256 = arith.constant 448 : index
        %swap3A_257 = tpu.vector_load %arg13[%swap3A_255, %swap3A_256] {strides = array<i32>} : memref<8x912xf32, #tpu.memory_space<vmem>>, vector<1x16xf32>,
        %swap3A_258 = vector.shape_cast %swap3A_257 : vector<1x16xf32> to vector<16xf32>
        %swap3A_259 = vector.shape_cast %mul3A_254 : vector<16xf32> to vector<1x16xf32>
        tpu.vector_store %arg13[%swap3A_255, %swap3A_256], %swap3A_259 {strides = array<i32>} : memref<8x912xf32, #tpu.memory_space<vmem>>, vector<1x16xf32>,
        %mul3A_260 = vector.broadcast %scan3A_4 : f32 to vector<16xf32>
        %mul3A_261 = arith.mulf %scan3A_188#10, %mul3A_260 : vector<16xf32>
        %swap3A_262 = arith.index_cast %scan3A_20 : i32 to index
        %swap3A_263 = arith.constant 464 : index
        %swap3A_264 = tpu.vector_load %arg13[%swap3A_262, %swap3A_263] {strides = array<i32>} : memref<8x912xf32, #tpu.memory_space<vmem>>, vector<1x16xf32>,
        %swap3A_265 = vector.shape_cast %swap3A_264 : vector<1x16xf32> to vector<16xf32>
        %swap3A_266 = vector.shape_cast %mul3A_261 : vector<16xf32> to vector<1x16xf32>
        tpu.vector_store %arg13[%swap3A_262, %swap3A_263], %swap3A_266 {strides = array<i32>} : memref<8x912xf32, #tpu.memory_space<vmem>>, vector<1x16xf32>,
        %mul3A_267 = vector.broadcast %scan3A_4 : f32 to vector<16xf32>
        %mul3A_268 = arith.mulf %scan3A_188#11, %mul3A_267 : vector<16xf32>
        %swap3A_269 = arith.index_cast %scan3A_20 : i32 to index
        %swap3A_270 = arith.constant 480 : index
        %swap3A_271 = tpu.vector_load %arg13[%swap3A_269, %swap3A_270] {strides = array<i32>} : memref<8x912xf32, #tpu.memory_space<vmem>>, vector<1x16xf32>,
        %swap3A_272 = vector.shape_cast %swap3A_271 : vector<1x16xf32> to vector<16xf32>
        %swap3A_273 = vector.shape_cast %mul3A_268 : vector<16xf32> to vector<1x16xf32>
        tpu.vector_store %arg13[%swap3A_269, %swap3A_270], %swap3A_273 {strides = array<i32>} : memref<8x912xf32, #tpu.memory_space<vmem>>, vector<1x16xf32>,
        %mul3A_274 = vector.broadcast %scan3A_4 : f32 to vector<16xf32>
        %mul3A_275 = arith.mulf %scan3A_188#12, %mul3A_274 : vector<16xf32>
        %swap3A_276 = arith.index_cast %scan3A_20 : i32 to index
        %swap3A_277 = arith.constant 496 : index
        %swap3A_278 = tpu.vector_load %arg13[%swap3A_276, %swap3A_277] {strides = array<i32>} : memref<8x912xf32, #tpu.memory_space<vmem>>, vector<1x16xf32>,
        %swap3A_279 = vector.shape_cast %swap3A_278 : vector<1x16xf32> to vector<16xf32>
        %swap3A_280 = vector.shape_cast %mul3A_275 : vector<16xf32> to vector<1x16xf32>
        tpu.vector_store %arg13[%swap3A_276, %swap3A_277], %swap3A_280 {strides = array<i32>} : memref<8x912xf32, #tpu.memory_space<vmem>>, vector<1x16xf32>,
        %mul3A_281 = vector.broadcast %scan3A_4 : f32 to vector<16xf32>
        %mul3A_282 = arith.mulf %scan3A_188#13, %mul3A_281 : vector<16xf32>
        %swap3A_283 = arith.index_cast %scan3A_20 : i32 to index
        %swap3A_284 = arith.constant 512 : index
        %swap3A_285 = tpu.vector_load %arg13[%swap3A_283, %swap3A_284] {strides = array<i32>} : memref<8x912xf32, #tpu.memory_space<vmem>>, vector<1x16xf32>,
        %swap3A_286 = vector.shape_cast %swap3A_285 : vector<1x16xf32> to vector<16xf32>
        %swap3A_287 = vector.shape_cast %mul3A_282 : vector<16xf32> to vector<1x16xf32>
        tpu.vector_store %arg13[%swap3A_283, %swap3A_284], %swap3A_287 {strides = array<i32>} : memref<8x912xf32, #tpu.memory_space<vmem>>, vector<1x16xf32>,
        %mul3A_288 = vector.broadcast %scan3A_4 : f32 to vector<16xf32>
        %mul3A_289 = arith.mulf %scan3A_188#14, %mul3A_288 : vector<16xf32>
        %swap3A_290 = arith.index_cast %scan3A_20 : i32 to index
        %swap3A_291 = arith.constant 528 : index
        %swap3A_292 = tpu.vector_load %arg13[%swap3A_290, %swap3A_291] {strides = array<i32>} : memref<8x912xf32, #tpu.memory_space<vmem>>, vector<1x16xf32>,
        %swap3A_293 = vector.shape_cast %swap3A_292 : vector<1x16xf32> to vector<16xf32>
        %swap3A_294 = vector.shape_cast %mul3A_289 : vector<16xf32> to vector<1x16xf32>
        tpu.vector_store %arg13[%swap3A_290, %swap3A_291], %swap3A_294 {strides = array<i32>} : memref<8x912xf32, #tpu.memory_space<vmem>>, vector<1x16xf32>,
        %mul3A_295 = vector.broadcast %scan3A_4 : f32 to vector<16xf32>
        %mul3A_296 = arith.mulf %scan3A_188#15, %mul3A_295 : vector<16xf32>
        %swap3A_297 = arith.index_cast %scan3A_20 : i32 to index
        %swap3A_298 = arith.constant 544 : index
        %swap3A_299 = tpu.vector_load %arg13[%swap3A_297, %swap3A_298] {strides = array<i32>} : memref<8x912xf32, #tpu.memory_space<vmem>>, vector<1x16xf32>,
        %swap3A_300 = vector.shape_cast %swap3A_299 : vector<1x16xf32> to vector<16xf32>
        %swap3A_301 = vector.shape_cast %mul3A_296 : vector<16xf32> to vector<1x16xf32>
        tpu.vector_store %arg13[%swap3A_297, %swap3A_298], %swap3A_301 {strides = array<i32>} : memref<8x912xf32, #tpu.memory_space<vmem>>, vector<1x16xf32>,
        %mul3A_302 = vector.broadcast %scan3A_4 : f32 to vector<16xf32>
        %mul3A_303 = arith.mulf %scan3A_188#16, %mul3A_302 : vector<16xf32>
        %swap3A_304 = arith.index_cast %scan3A_20 : i32 to index
        %swap3A_305 = arith.constant 560 : index
        %swap3A_306 = tpu.vector_load %arg13[%swap3A_304, %swap3A_305] {strides = array<i32>} : memref<8x912xf32, #tpu.memory_space<vmem>>, vector<1x16xf32>,
        %swap3A_307 = vector.shape_cast %swap3A_306 : vector<1x16xf32> to vector<16xf32>
        %swap3A_308 = vector.shape_cast %mul3A_303 : vector<16xf32> to vector<1x16xf32>
        tpu.vector_store %arg13[%swap3A_304, %swap3A_305], %swap3A_308 {strides = array<i32>} : memref<8x912xf32, #tpu.memory_space<vmem>>, vector<1x16xf32>,
        %mul3A_309 = vector.broadcast %scan3A_4 : f32 to vector<16xf32>
        %mul3A_310 = arith.mulf %scan3A_188#17, %mul3A_309 : vector<16xf32>
        %swap3A_311 = arith.index_cast %scan3A_20 : i32 to index
        %swap3A_312 = arith.constant 576 : index
        %swap3A_313 = tpu.vector_load %arg13[%swap3A_311, %swap3A_312] {strides = array<i32>} : memref<8x912xf32, #tpu.memory_space<vmem>>, vector<1x16xf32>,
        %swap3A_314 = vector.shape_cast %swap3A_313 : vector<1x16xf32> to vector<16xf32>
        %swap3A_315 = vector.shape_cast %mul3A_310 : vector<16xf32> to vector<1x16xf32>
        tpu.vector_store %arg13[%swap3A_311, %swap3A_312], %swap3A_315 {strides = array<i32>} : memref<8x912xf32, #tpu.memory_space<vmem>>, vector<1x16xf32>,
        %mul3A_316 = vector.broadcast %scan3A_4 : f32 to vector<16xf32>
        %mul3A_317 = arith.mulf %scan3A_188#18, %mul3A_316 : vector<16xf32>
        %swap3A_318 = arith.index_cast %scan3A_20 : i32 to index
        %swap3A_319 = arith.constant 592 : index
        %swap3A_320 = tpu.vector_load %arg13[%swap3A_318, %swap3A_319] {strides = array<i32>} : memref<8x912xf32, #tpu.memory_space<vmem>>, vector<1x16xf32>,
        %swap3A_321 = vector.shape_cast %swap3A_320 : vector<1x16xf32> to vector<16xf32>
        %swap3A_322 = vector.shape_cast %mul3A_317 : vector<16xf32> to vector<1x16xf32>
        tpu.vector_store %arg13[%swap3A_318, %swap3A_319], %swap3A_322 {strides = array<i32>} : memref<8x912xf32, #tpu.memory_space<vmem>>, vector<1x16xf32>,
        %dma_start3A_323 = arith.constant 0 : i32
        %dma_start3A_324 = tpu.memref_slice %arg11[%add3A_23, %dma_start3A_323] : memref<128x56xi32, #tpu.memory_space<vmem>> -> memref<1x56xi32, #tpu.memory_space<vmem>>
        %dma_start3A_325 = tpu.memref_squeeze %dma_start3A_324 : memref<1x56xi32, #tpu.memory_space<vmem>> -> memref<56xi32, #tpu.memory_space<vmem>>
        %dma_start3A_326 = arith.constant 0 : i32
        %dma_start3A_327 = arith.constant 0 : i32
        %dma_start3A_328 = tpu.memref_slice %arg7[%dma_start3A_326, %dma_start3A_327] : memref<250499x384xf32, #tpu.memory_space<hbm>> -> memref<250499x384xf32, #tpu.memory_space<hbm>>
        tpu.enqueue_indirect_dma source(%dma_start3A_328 : memref<250499x384xf32, #tpu.memory_space<hbm>>) target(%arg12 : memref<56x384xf32, #tpu.memory_space<vmem>>) offsets(%dma_start3A_325 : memref<56xi32, #tpu.memory_space<vmem>>) semaphore(%arg14 : memref<!tpu.dma_semaphore, #tpu.memory_space<semaphore_mem>>)
        %dma_wait3A_329 = arith.constant 0 : i32
        %dma_wait3A_330 = tpu.memref_slice %arg11[%add3A_23, %dma_wait3A_329] : memref<128x56xi32, #tpu.memory_space<vmem>> -> memref<1x56xi32, #tpu.memory_space<vmem>>
        %dma_wait3A_331 = tpu.memref_squeeze %dma_wait3A_330 : memref<1x56xi32, #tpu.memory_space<vmem>> -> memref<56xi32, #tpu.memory_space<vmem>>
        %dma_wait3A_332 = arith.constant 0 : i32
        %dma_wait3A_333 = arith.constant 0 : i32
        %dma_wait3A_334 = tpu.memref_slice %arg7[%dma_wait3A_332, %dma_wait3A_333] : memref<250499x384xf32, #tpu.memory_space<hbm>> -> memref<250499x384xf32, #tpu.memory_space<hbm>>
        tpu.wait_indirect_dma semaphore(%arg14 : memref<!tpu.dma_semaphore, #tpu.memory_space<semaphore_mem>>) src(%dma_wait3A_334 : memref<250499x384xf32, #tpu.memory_space<hbm>>) dst(%arg12 : memref<56x384xf32, #tpu.memory_space<vmem>>)
        %scan3A_335 = arith.constant 0 : i32
        %scan3A_336 = arith.constant 50 : i32
        %scan3A_337 = arith.addi %scan3A_335, %scan3A_336 : i32
        %scan3A_338 = arith.constant 1 : i32
        %scan3A_339:19 = scf.for %scan3A_474 = %scan3A_335 to %scan3A_337 step %scan3A_338 iter_args(%scan3A_475 = %broadcast_in_dim3A_3, %scan3A_476 = %broadcast_in_dim3A_3, %scan3A_477 = %broadcast_in_dim3A_3, %scan3A_478 = %broadcast_in_dim3A_3, %scan3A_479 = %broadcast_in_dim3A_3, %scan3A_480 = %broadcast_in_dim3A_3, %scan3A_481 = %broadcast_in_dim3A_3, %scan3A_482 = %broadcast_in_dim3A_3, %scan3A_483 = %broadcast_in_dim3A_3, %scan3A_484 = %broadcast_in_dim3A_3, %scan3A_485 = %broadcast_in_dim3A_3, %scan3A_486 = %broadcast_in_dim3A_3, %scan3A_487 = %broadcast_in_dim3A_3, %scan3A_488 = %broadcast_in_dim3A_3, %scan3A_489 = %broadcast_in_dim3A_3, %scan3A_490 = %broadcast_in_dim3A_3, %scan3A_491 = %broadcast_in_dim3A_3, %scan3A_492 = %broadcast_in_dim3A_3, %scan3A_493 = %broadcast_in_dim3A_3) -> (vector<16xf32>, vector<16xf32>, vector<16xf32>, vector<16xf32>, vector<16xf32>, vector<16xf32>, vector<16xf32>, vector<16xf32>, vector<16xf32>, vector<16xf32>, vector<16xf32>, vector<16xf32>, vector<16xf32>, vector<16xf32>, vector<16xf32>, vector<16xf32>, vector<16xf32>, vector<16xf32>, vector<16xf32>)  : i32 {
          %get3A = arith.index_cast %scan3A_474 : i32 to index
          %get3A_494 = arith.constant 0 : index
          %get3A_495 = tpu.vector_load %arg12[%get3A, %get3A_494] {strides = array<i32>} : memref<56x384xf32, #tpu.memory_space<vmem>>, vector<1x16xf32>,
          %get3A_496 = vector.shape_cast %get3A_495 : vector<1x16xf32> to vector<16xf32>
          %add3A_497 = arith.addf %scan3A_475, %get3A_496 : vector<16xf32>
          %get3A_498 = arith.index_cast %scan3A_474 : i32 to index
          %get3A_499 = arith.constant 16 : index
          %get3A_500 = tpu.vector_load %arg12[%get3A_498, %get3A_499] {strides = array<i32>} : memref<56x384xf32, #tpu.memory_space<vmem>>, vector<1x16xf32>,
          %get3A_501 = vector.shape_cast %get3A_500 : vector<1x16xf32> to vector<16xf32>
          %add3A_502 = arith.addf %scan3A_476, %get3A_501 : vector<16xf32>
          %get3A_503 = arith.index_cast %scan3A_474 : i32 to index
          %get3A_504 = arith.constant 32 : index
          %get3A_505 = tpu.vector_load %arg12[%get3A_503, %get3A_504] {strides = array<i32>} : memref<56x384xf32, #tpu.memory_space<vmem>>, vector<1x16xf32>,
          %get3A_506 = vector.shape_cast %get3A_505 : vector<1x16xf32> to vector<16xf32>
          %add3A_507 = arith.addf %scan3A_477, %get3A_506 : vector<16xf32>
          %get3A_508 = arith.index_cast %scan3A_474 : i32 to index
          %get3A_509 = arith.constant 48 : index
          %get3A_510 = tpu.vector_load %arg12[%get3A_508, %get3A_509] {strides = array<i32>} : memref<56x384xf32, #tpu.memory_space<vmem>>, vector<1x16xf32>,
          %get3A_511 = vector.shape_cast %get3A_510 : vector<1x16xf32> to vector<16xf32>
          %add3A_512 = arith.addf %scan3A_478, %get3A_511 : vector<16xf32>
          %get3A_513 = arith.index_cast %scan3A_474 : i32 to index
          %get3A_514 = arith.constant 64 : index
          %get3A_515 = tpu.vector_load %arg12[%get3A_513, %get3A_514] {strides = array<i32>} : memref<56x384xf32, #tpu.memory_space<vmem>>, vector<1x16xf32>,
          %get3A_516 = vector.shape_cast %get3A_515 : vector<1x16xf32> to vector<16xf32>
          %add3A_517 = arith.addf %scan3A_479, %get3A_516 : vector<16xf32>
          %get3A_518 = arith.index_cast %scan3A_474 : i32 to index
          %get3A_519 = arith.constant 80 : index
          %get3A_520 = tpu.vector_load %arg12[%get3A_518, %get3A_519] {strides = array<i32>} : memref<56x384xf32, #tpu.memory_space<vmem>>, vector<1x16xf32>,
          %get3A_521 = vector.shape_cast %get3A_520 : vector<1x16xf32> to vector<16xf32>
          %add3A_522 = arith.addf %scan3A_480, %get3A_521 : vector<16xf32>
          %get3A_523 = arith.index_cast %scan3A_474 : i32 to index
          %get3A_524 = arith.constant 96 : index
          %get3A_525 = tpu.vector_load %arg12[%get3A_523, %get3A_524] {strides = array<i32>} : memref<56x384xf32, #tpu.memory_space<vmem>>, vector<1x16xf32>,
          %get3A_526 = vector.shape_cast %get3A_525 : vector<1x16xf32> to vector<16xf32>
          %add3A_527 = arith.addf %scan3A_481, %get3A_526 : vector<16xf32>
          %get3A_528 = arith.index_cast %scan3A_474 : i32 to index
          %get3A_529 = arith.constant 112 : index
          %get3A_530 = tpu.vector_load %arg12[%get3A_528, %get3A_529] {strides = array<i32>} : memref<56x384xf32, #tpu.memory_space<vmem>>, vector<1x16xf32>,
          %get3A_531 = vector.shape_cast %get3A_530 : vector<1x16xf32> to vector<16xf32>
          %add3A_532 = arith.addf %scan3A_482, %get3A_531 : vector<16xf32>
          %get3A_533 = arith.index_cast %scan3A_474 : i32 to index
          %get3A_534 = arith.constant 128 : index
          %get3A_535 = tpu.vector_load %arg12[%get3A_533, %get3A_534] {strides = array<i32>} : memref<56x384xf32, #tpu.memory_space<vmem>>, vector<1x16xf32>,
          %get3A_536 = vector.shape_cast %get3A_535 : vector<1x16xf32> to vector<16xf32>
          %add3A_537 = arith.addf %scan3A_483, %get3A_536 : vector<16xf32>
          %get3A_538 = arith.index_cast %scan3A_474 : i32 to index
          %get3A_539 = arith.constant 144 : index
          %get3A_540 = tpu.vector_load %arg12[%get3A_538, %get3A_539] {strides = array<i32>} : memref<56x384xf32, #tpu.memory_space<vmem>>, vector<1x16xf32>,
          %get3A_541 = vector.shape_cast %get3A_540 : vector<1x16xf32> to vector<16xf32>
          %add3A_542 = arith.addf %scan3A_484, %get3A_541 : vector<16xf32>
          %get3A_543 = arith.index_cast %scan3A_474 : i32 to index
          %get3A_544 = arith.constant 160 : index
          %get3A_545 = tpu.vector_load %arg12[%get3A_543, %get3A_544] {strides = array<i32>} : memref<56x384xf32, #tpu.memory_space<vmem>>, vector<1x16xf32>,
          %get3A_546 = vector.shape_cast %get3A_545 : vector<1x16xf32> to vector<16xf32>
          %add3A_547 = arith.addf %scan3A_485, %get3A_546 : vector<16xf32>
          %get3A_548 = arith.index_cast %scan3A_474 : i32 to index
          %get3A_549 = arith.constant 176 : index
          %get3A_550 = tpu.vector_load %arg12[%get3A_548, %get3A_549] {strides = array<i32>} : memref<56x384xf32, #tpu.memory_space<vmem>>, vector<1x16xf32>,
          %get3A_551 = vector.shape_cast %get3A_550 : vector<1x16xf32> to vector<16xf32>
          %add3A_552 = arith.addf %scan3A_486, %get3A_551 : vector<16xf32>
          %get3A_553 = arith.index_cast %scan3A_474 : i32 to index
          %get3A_554 = arith.constant 192 : index
          %get3A_555 = tpu.vector_load %arg12[%get3A_553, %get3A_554] {strides = array<i32>} : memref<56x384xf32, #tpu.memory_space<vmem>>, vector<1x16xf32>,
          %get3A_556 = vector.shape_cast %get3A_555 : vector<1x16xf32> to vector<16xf32>
          %add3A_557 = arith.addf %scan3A_487, %get3A_556 : vector<16xf32>
          %get3A_558 = arith.index_cast %scan3A_474 : i32 to index
          %get3A_559 = arith.constant 208 : index
          %get3A_560 = tpu.vector_load %arg12[%get3A_558, %get3A_559] {strides = array<i32>} : memref<56x384xf32, #tpu.memory_space<vmem>>, vector<1x16xf32>,
          %get3A_561 = vector.shape_cast %get3A_560 : vector<1x16xf32> to vector<16xf32>
          %add3A_562 = arith.addf %scan3A_488, %get3A_561 : vector<16xf32>
          %get3A_563 = arith.index_cast %scan3A_474 : i32 to index
          %get3A_564 = arith.constant 224 : index
          %get3A_565 = tpu.vector_load %arg12[%get3A_563, %get3A_564] {strides = array<i32>} : memref<56x384xf32, #tpu.memory_space<vmem>>, vector<1x16xf32>,
          %get3A_566 = vector.shape_cast %get3A_565 : vector<1x16xf32> to vector<16xf32>
          %add3A_567 = arith.addf %scan3A_489, %get3A_566 : vector<16xf32>
          %get3A_568 = arith.index_cast %scan3A_474 : i32 to index
          %get3A_569 = arith.constant 240 : index
          %get3A_570 = tpu.vector_load %arg12[%get3A_568, %get3A_569] {strides = array<i32>} : memref<56x384xf32, #tpu.memory_space<vmem>>, vector<1x16xf32>,
          %get3A_571 = vector.shape_cast %get3A_570 : vector<1x16xf32> to vector<16xf32>
          %add3A_572 = arith.addf %scan3A_490, %get3A_571 : vector<16xf32>
          %get3A_573 = arith.index_cast %scan3A_474 : i32 to index
          %get3A_574 = arith.constant 256 : index
          %get3A_575 = tpu.vector_load %arg12[%get3A_573, %get3A_574] {strides = array<i32>} : memref<56x384xf32, #tpu.memory_space<vmem>>, vector<1x16xf32>,
          %get3A_576 = vector.shape_cast %get3A_575 : vector<1x16xf32> to vector<16xf32>
          %add3A_577 = arith.addf %scan3A_491, %get3A_576 : vector<16xf32>
          %get3A_578 = arith.index_cast %scan3A_474 : i32 to index
          %get3A_579 = arith.constant 272 : index
          %get3A_580 = tpu.vector_load %arg12[%get3A_578, %get3A_579] {strides = array<i32>} : memref<56x384xf32, #tpu.memory_space<vmem>>, vector<1x16xf32>,
          %get3A_581 = vector.shape_cast %get3A_580 : vector<1x16xf32> to vector<16xf32>
          %add3A_582 = arith.addf %scan3A_492, %get3A_581 : vector<16xf32>
          %get3A_583 = arith.index_cast %scan3A_474 : i32 to index
          %get3A_584 = arith.constant 288 : index
          %get3A_585 = tpu.vector_load %arg12[%get3A_583, %get3A_584] {strides = array<i32>} : memref<56x384xf32, #tpu.memory_space<vmem>>, vector<1x16xf32>,
          %get3A_586 = vector.shape_cast %get3A_585 : vector<1x16xf32> to vector<16xf32>
          %add3A_587 = arith.addf %scan3A_493, %get3A_586 : vector<16xf32>
          scf.yield %add3A_497, %add3A_502, %add3A_507, %add3A_512, %add3A_517, %add3A_522, %add3A_527, %add3A_532, %add3A_537, %add3A_542, %add3A_547, %add3A_552, %add3A_557, %add3A_562, %add3A_567, %add3A_572, %add3A_577, %add3A_582, %add3A_587 : vector<16xf32>, vector<16xf32>, vector<16xf32>, vector<16xf32>, vector<16xf32>, vector<16xf32>, vector<16xf32>, vector<16xf32>, vector<16xf32>, vector<16xf32>, vector<16xf32>, vector<16xf32>, vector<16xf32>, vector<16xf32>, vector<16xf32>, vector<16xf32>, vector<16xf32>, vector<16xf32>, vector<16xf32>
        }
        %scan3A_340 = arith.constant 50 : i32
        %mul3A_341 = vector.broadcast %scan3A_4 : f32 to vector<16xf32>
        %mul3A_342 = arith.mulf %scan3A_339#0, %mul3A_341 : vector<16xf32>
        %swap3A_343 = arith.index_cast %scan3A_20 : i32 to index
        %swap3A_344 = arith.constant 608 : index
        %swap3A_345 = tpu.vector_load %arg13[%swap3A_343, %swap3A_344] {strides = array<i32>} : memref<8x912xf32, #tpu.memory_space<vmem>>, vector<1x16xf32>,
        %swap3A_346 = vector.shape_cast %swap3A_345 : vector<1x16xf32> to vector<16xf32>
        %swap3A_347 = vector.shape_cast %mul3A_342 : vector<16xf32> to vector<1x16xf32>
        tpu.vector_store %arg13[%swap3A_343, %swap3A_344], %swap3A_347 {strides = array<i32>} : memref<8x912xf32, #tpu.memory_space<vmem>>, vector<1x16xf32>,
        %mul3A_348 = vector.broadcast %scan3A_4 : f32 to vector<16xf32>
        %mul3A_349 = arith.mulf %scan3A_339#1, %mul3A_348 : vector<16xf32>
        %swap3A_350 = arith.index_cast %scan3A_20 : i32 to index
        %swap3A_351 = arith.constant 624 : index
        %swap3A_352 = tpu.vector_load %arg13[%swap3A_350, %swap3A_351] {strides = array<i32>} : memref<8x912xf32, #tpu.memory_space<vmem>>, vector<1x16xf32>,
        %swap3A_353 = vector.shape_cast %swap3A_352 : vector<1x16xf32> to vector<16xf32>
        %swap3A_354 = vector.shape_cast %mul3A_349 : vector<16xf32> to vector<1x16xf32>
        tpu.vector_store %arg13[%swap3A_350, %swap3A_351], %swap3A_354 {strides = array<i32>} : memref<8x912xf32, #tpu.memory_space<vmem>>, vector<1x16xf32>,
        %mul3A_355 = vector.broadcast %scan3A_4 : f32 to vector<16xf32>
        %mul3A_356 = arith.mulf %scan3A_339#2, %mul3A_355 : vector<16xf32>
        %swap3A_357 = arith.index_cast %scan3A_20 : i32 to index
        %swap3A_358 = arith.constant 640 : index
        %swap3A_359 = tpu.vector_load %arg13[%swap3A_357, %swap3A_358] {strides = array<i32>} : memref<8x912xf32, #tpu.memory_space<vmem>>, vector<1x16xf32>,
        %swap3A_360 = vector.shape_cast %swap3A_359 : vector<1x16xf32> to vector<16xf32>
        %swap3A_361 = vector.shape_cast %mul3A_356 : vector<16xf32> to vector<1x16xf32>
        tpu.vector_store %arg13[%swap3A_357, %swap3A_358], %swap3A_361 {strides = array<i32>} : memref<8x912xf32, #tpu.memory_space<vmem>>, vector<1x16xf32>,
        %mul3A_362 = vector.broadcast %scan3A_4 : f32 to vector<16xf32>
        %mul3A_363 = arith.mulf %scan3A_339#3, %mul3A_362 : vector<16xf32>
        %swap3A_364 = arith.index_cast %scan3A_20 : i32 to index
        %swap3A_365 = arith.constant 656 : index
        %swap3A_366 = tpu.vector_load %arg13[%swap3A_364, %swap3A_365] {strides = array<i32>} : memref<8x912xf32, #tpu.memory_space<vmem>>, vector<1x16xf32>,
        %swap3A_367 = vector.shape_cast %swap3A_366 : vector<1x16xf32> to vector<16xf32>
        %swap3A_368 = vector.shape_cast %mul3A_363 : vector<16xf32> to vector<1x16xf32>
        tpu.vector_store %arg13[%swap3A_364, %swap3A_365], %swap3A_368 {strides = array<i32>} : memref<8x912xf32, #tpu.memory_space<vmem>>, vector<1x16xf32>,
        %mul3A_369 = vector.broadcast %scan3A_4 : f32 to vector<16xf32>
        %mul3A_370 = arith.mulf %scan3A_339#4, %mul3A_369 : vector<16xf32>
        %swap3A_371 = arith.index_cast %scan3A_20 : i32 to index
        %swap3A_372 = arith.constant 672 : index
        %swap3A_373 = tpu.vector_load %arg13[%swap3A_371, %swap3A_372] {strides = array<i32>} : memref<8x912xf32, #tpu.memory_space<vmem>>, vector<1x16xf32>,
        %swap3A_374 = vector.shape_cast %swap3A_373 : vector<1x16xf32> to vector<16xf32>
        %swap3A_375 = vector.shape_cast %mul3A_370 : vector<16xf32> to vector<1x16xf32>
        tpu.vector_store %arg13[%swap3A_371, %swap3A_372], %swap3A_375 {strides = array<i32>} : memref<8x912xf32, #tpu.memory_space<vmem>>, vector<1x16xf32>,
        %mul3A_376 = vector.broadcast %scan3A_4 : f32 to vector<16xf32>
        %mul3A_377 = arith.mulf %scan3A_339#5, %mul3A_376 : vector<16xf32>
        %swap3A_378 = arith.index_cast %scan3A_20 : i32 to index
        %swap3A_379 = arith.constant 688 : index
        %swap3A_380 = tpu.vector_load %arg13[%swap3A_378, %swap3A_379] {strides = array<i32>} : memref<8x912xf32, #tpu.memory_space<vmem>>, vector<1x16xf32>,
        %swap3A_381 = vector.shape_cast %swap3A_380 : vector<1x16xf32> to vector<16xf32>
        %swap3A_382 = vector.shape_cast %mul3A_377 : vector<16xf32> to vector<1x16xf32>
        tpu.vector_store %arg13[%swap3A_378, %swap3A_379], %swap3A_382 {strides = array<i32>} : memref<8x912xf32, #tpu.memory_space<vmem>>, vector<1x16xf32>,
        %mul3A_383 = vector.broadcast %scan3A_4 : f32 to vector<16xf32>
        %mul3A_384 = arith.mulf %scan3A_339#6, %mul3A_383 : vector<16xf32>
        %swap3A_385 = arith.index_cast %scan3A_20 : i32 to index
        %swap3A_386 = arith.constant 704 : index
        %swap3A_387 = tpu.vector_load %arg13[%swap3A_385, %swap3A_386] {strides = array<i32>} : memref<8x912xf32, #tpu.memory_space<vmem>>, vector<1x16xf32>,
        %swap3A_388 = vector.shape_cast %swap3A_387 : vector<1x16xf32> to vector<16xf32>
        %swap3A_389 = vector.shape_cast %mul3A_384 : vector<16xf32> to vector<1x16xf32>
        tpu.vector_store %arg13[%swap3A_385, %swap3A_386], %swap3A_389 {strides = array<i32>} : memref<8x912xf32, #tpu.memory_space<vmem>>, vector<1x16xf32>,
        %mul3A_390 = vector.broadcast %scan3A_4 : f32 to vector<16xf32>
        %mul3A_391 = arith.mulf %scan3A_339#7, %mul3A_390 : vector<16xf32>
        %swap3A_392 = arith.index_cast %scan3A_20 : i32 to index
        %swap3A_393 = arith.constant 720 : index
        %swap3A_394 = tpu.vector_load %arg13[%swap3A_392, %swap3A_393] {strides = array<i32>} : memref<8x912xf32, #tpu.memory_space<vmem>>, vector<1x16xf32>,
        %swap3A_395 = vector.shape_cast %swap3A_394 : vector<1x16xf32> to vector<16xf32>
        %swap3A_396 = vector.shape_cast %mul3A_391 : vector<16xf32> to vector<1x16xf32>
        tpu.vector_store %arg13[%swap3A_392, %swap3A_393], %swap3A_396 {strides = array<i32>} : memref<8x912xf32, #tpu.memory_space<vmem>>, vector<1x16xf32>,
        %mul3A_397 = vector.broadcast %scan3A_4 : f32 to vector<16xf32>
        %mul3A_398 = arith.mulf %scan3A_339#8, %mul3A_397 : vector<16xf32>
        %swap3A_399 = arith.index_cast %scan3A_20 : i32 to index
        %swap3A_400 = arith.constant 736 : index
        %swap3A_401 = tpu.vector_load %arg13[%swap3A_399, %swap3A_400] {strides = array<i32>} : memref<8x912xf32, #tpu.memory_space<vmem>>, vector<1x16xf32>,
        %swap3A_402 = vector.shape_cast %swap3A_401 : vector<1x16xf32> to vector<16xf32>
        %swap3A_403 = vector.shape_cast %mul3A_398 : vector<16xf32> to vector<1x16xf32>
        tpu.vector_store %arg13[%swap3A_399, %swap3A_400], %swap3A_403 {strides = array<i32>} : memref<8x912xf32, #tpu.memory_space<vmem>>, vector<1x16xf32>,
        %mul3A_404 = vector.broadcast %scan3A_4 : f32 to vector<16xf32>
        %mul3A_405 = arith.mulf %scan3A_339#9, %mul3A_404 : vector<16xf32>
        %swap3A_406 = arith.index_cast %scan3A_20 : i32 to index
        %swap3A_407 = arith.constant 752 : index
        %swap3A_408 = tpu.vector_load %arg13[%swap3A_406, %swap3A_407] {strides = array<i32>} : memref<8x912xf32, #tpu.memory_space<vmem>>, vector<1x16xf32>,
        %swap3A_409 = vector.shape_cast %swap3A_408 : vector<1x16xf32> to vector<16xf32>
        %swap3A_410 = vector.shape_cast %mul3A_405 : vector<16xf32> to vector<1x16xf32>
        tpu.vector_store %arg13[%swap3A_406, %swap3A_407], %swap3A_410 {strides = array<i32>} : memref<8x912xf32, #tpu.memory_space<vmem>>, vector<1x16xf32>,
        %mul3A_411 = vector.broadcast %scan3A_4 : f32 to vector<16xf32>
        %mul3A_412 = arith.mulf %scan3A_339#10, %mul3A_411 : vector<16xf32>
        %swap3A_413 = arith.index_cast %scan3A_20 : i32 to index
        %swap3A_414 = arith.constant 768 : index
        %swap3A_415 = tpu.vector_load %arg13[%swap3A_413, %swap3A_414] {strides = array<i32>} : memref<8x912xf32, #tpu.memory_space<vmem>>, vector<1x16xf32>,
        %swap3A_416 = vector.shape_cast %swap3A_415 : vector<1x16xf32> to vector<16xf32>
        %swap3A_417 = vector.shape_cast %mul3A_412 : vector<16xf32> to vector<1x16xf32>
        tpu.vector_store %arg13[%swap3A_413, %swap3A_414], %swap3A_417 {strides = array<i32>} : memref<8x912xf32, #tpu.memory_space<vmem>>, vector<1x16xf32>,
        %mul3A_418 = vector.broadcast %scan3A_4 : f32 to vector<16xf32>
        %mul3A_419 = arith.mulf %scan3A_339#11, %mul3A_418 : vector<16xf32>
        %swap3A_420 = arith.index_cast %scan3A_20 : i32 to index
        %swap3A_421 = arith.constant 784 : index
        %swap3A_422 = tpu.vector_load %arg13[%swap3A_420, %swap3A_421] {strides = array<i32>} : memref<8x912xf32, #tpu.memory_space<vmem>>, vector<1x16xf32>,
        %swap3A_423 = vector.shape_cast %swap3A_422 : vector<1x16xf32> to vector<16xf32>
        %swap3A_424 = vector.shape_cast %mul3A_419 : vector<16xf32> to vector<1x16xf32>
        tpu.vector_store %arg13[%swap3A_420, %swap3A_421], %swap3A_424 {strides = array<i32>} : memref<8x912xf32, #tpu.memory_space<vmem>>, vector<1x16xf32>,
        %mul3A_425 = vector.broadcast %scan3A_4 : f32 to vector<16xf32>
        %mul3A_426 = arith.mulf %scan3A_339#12, %mul3A_425 : vector<16xf32>
        %swap3A_427 = arith.index_cast %scan3A_20 : i32 to index
        %swap3A_428 = arith.constant 800 : index
        %swap3A_429 = tpu.vector_load %arg13[%swap3A_427, %swap3A_428] {strides = array<i32>} : memref<8x912xf32, #tpu.memory_space<vmem>>, vector<1x16xf32>,
        %swap3A_430 = vector.shape_cast %swap3A_429 : vector<1x16xf32> to vector<16xf32>
        %swap3A_431 = vector.shape_cast %mul3A_426 : vector<16xf32> to vector<1x16xf32>
        tpu.vector_store %arg13[%swap3A_427, %swap3A_428], %swap3A_431 {strides = array<i32>} : memref<8x912xf32, #tpu.memory_space<vmem>>, vector<1x16xf32>,
        %mul3A_432 = vector.broadcast %scan3A_4 : f32 to vector<16xf32>
        %mul3A_433 = arith.mulf %scan3A_339#13, %mul3A_432 : vector<16xf32>
        %swap3A_434 = arith.index_cast %scan3A_20 : i32 to index
        %swap3A_435 = arith.constant 816 : index
        %swap3A_436 = tpu.vector_load %arg13[%swap3A_434, %swap3A_435] {strides = array<i32>} : memref<8x912xf32, #tpu.memory_space<vmem>>, vector<1x16xf32>,
        %swap3A_437 = vector.shape_cast %swap3A_436 : vector<1x16xf32> to vector<16xf32>
        %swap3A_438 = vector.shape_cast %mul3A_433 : vector<16xf32> to vector<1x16xf32>
        tpu.vector_store %arg13[%swap3A_434, %swap3A_435], %swap3A_438 {strides = array<i32>} : memref<8x912xf32, #tpu.memory_space<vmem>>, vector<1x16xf32>,
        %mul3A_439 = vector.broadcast %scan3A_4 : f32 to vector<16xf32>
        %mul3A_440 = arith.mulf %scan3A_339#14, %mul3A_439 : vector<16xf32>
        %swap3A_441 = arith.index_cast %scan3A_20 : i32 to index
        %swap3A_442 = arith.constant 832 : index
        %swap3A_443 = tpu.vector_load %arg13[%swap3A_441, %swap3A_442] {strides = array<i32>} : memref<8x912xf32, #tpu.memory_space<vmem>>, vector<1x16xf32>,
        %swap3A_444 = vector.shape_cast %swap3A_443 : vector<1x16xf32> to vector<16xf32>
        %swap3A_445 = vector.shape_cast %mul3A_440 : vector<16xf32> to vector<1x16xf32>
        tpu.vector_store %arg13[%swap3A_441, %swap3A_442], %swap3A_445 {strides = array<i32>} : memref<8x912xf32, #tpu.memory_space<vmem>>, vector<1x16xf32>,
        %mul3A_446 = vector.broadcast %scan3A_4 : f32 to vector<16xf32>
        %mul3A_447 = arith.mulf %scan3A_339#15, %mul3A_446 : vector<16xf32>
        %swap3A_448 = arith.index_cast %scan3A_20 : i32 to index
        %swap3A_449 = arith.constant 848 : index
        %swap3A_450 = tpu.vector_load %arg13[%swap3A_448, %swap3A_449] {strides = array<i32>} : memref<8x912xf32, #tpu.memory_space<vmem>>, vector<1x16xf32>,
        %swap3A_451 = vector.shape_cast %swap3A_450 : vector<1x16xf32> to vector<16xf32>
        %swap3A_452 = vector.shape_cast %mul3A_447 : vector<16xf32> to vector<1x16xf32>
        tpu.vector_store %arg13[%swap3A_448, %swap3A_449], %swap3A_452 {strides = array<i32>} : memref<8x912xf32, #tpu.memory_space<vmem>>, vector<1x16xf32>,
        %mul3A_453 = vector.broadcast %scan3A_4 : f32 to vector<16xf32>
        %mul3A_454 = arith.mulf %scan3A_339#16, %mul3A_453 : vector<16xf32>
        %swap3A_455 = arith.index_cast %scan3A_20 : i32 to index
        %swap3A_456 = arith.constant 864 : index
        %swap3A_457 = tpu.vector_load %arg13[%swap3A_455, %swap3A_456] {strides = array<i32>} : memref<8x912xf32, #tpu.memory_space<vmem>>, vector<1x16xf32>,
        %swap3A_458 = vector.shape_cast %swap3A_457 : vector<1x16xf32> to vector<16xf32>
        %swap3A_459 = vector.shape_cast %mul3A_454 : vector<16xf32> to vector<1x16xf32>
        tpu.vector_store %arg13[%swap3A_455, %swap3A_456], %swap3A_459 {strides = array<i32>} : memref<8x912xf32, #tpu.memory_space<vmem>>, vector<1x16xf32>,
        %mul3A_460 = vector.broadcast %scan3A_4 : f32 to vector<16xf32>
        %mul3A_461 = arith.mulf %scan3A_339#17, %mul3A_460 : vector<16xf32>
        %swap3A_462 = arith.index_cast %scan3A_20 : i32 to index
        %swap3A_463 = arith.constant 880 : index
        %swap3A_464 = tpu.vector_load %arg13[%swap3A_462, %swap3A_463] {strides = array<i32>} : memref<8x912xf32, #tpu.memory_space<vmem>>, vector<1x16xf32>,
        %swap3A_465 = vector.shape_cast %swap3A_464 : vector<1x16xf32> to vector<16xf32>
        %swap3A_466 = vector.shape_cast %mul3A_461 : vector<16xf32> to vector<1x16xf32>
        tpu.vector_store %arg13[%swap3A_462, %swap3A_463], %swap3A_466 {strides = array<i32>} : memref<8x912xf32, #tpu.memory_space<vmem>>, vector<1x16xf32>,
        %mul3A_467 = vector.broadcast %scan3A_4 : f32 to vector<16xf32>
        %mul3A_468 = arith.mulf %scan3A_339#18, %mul3A_467 : vector<16xf32>
        %swap3A_469 = arith.index_cast %scan3A_20 : i32 to index
        %swap3A_470 = arith.constant 896 : index
        %swap3A_471 = tpu.vector_load %arg13[%swap3A_469, %swap3A_470] {strides = array<i32>} : memref<8x912xf32, #tpu.memory_space<vmem>>, vector<1x16xf32>,
        %swap3A_472 = vector.shape_cast %swap3A_471 : vector<1x16xf32> to vector<16xf32>
        %swap3A_473 = vector.shape_cast %mul3A_468 : vector<16xf32> to vector<1x16xf32>
        tpu.vector_store %arg13[%swap3A_469, %swap3A_470], %swap3A_473 {strides = array<i32>} : memref<8x912xf32, #tpu.memory_space<vmem>>, vector<1x16xf32>,
      }
      %scan3A_16 = arith.constant 8 : i32
      %mul3A_17 = arith.constant 8 : i32
      %mul3A_18 = arith.muli %scan3A_10, %mul3A_17 : i32
      %add3A_19 = arith.addi %mul3A_2, %mul3A_18 : i32
      "tpu.region"() ({
        %run_scoped3A = tpu.sem_alloc : memref<!tpu.dma_semaphore, #tpu.memory_space<semaphore_mem>>
        %dma_start3A = arith.constant 0 : i32
        %dma_start3A_20 = tpu.memref_slice %arg8[%add3A_19, %dma_start3A] : memref<4096x912xf32, #tpu.memory_space<hbm>> -> memref<8x912xf32, #tpu.memory_space<hbm>>
        %dma_start3A_21 = arith.constant 0 : i32
        %dma_start3A_22 = tpu.memref_slice %arg8[%add3A_19, %dma_start3A_21] : memref<4096x912xf32, #tpu.memory_space<hbm>> -> memref<8x912xf32, #tpu.memory_space<hbm>>
        tpu.enqueue_dma source(%arg13 : memref<8x912xf32, #tpu.memory_space<vmem>>) target(%dma_start3A_22 : memref<8x912xf32, #tpu.memory_space<hbm>>) target_semaphore(%run_scoped3A : memref<!tpu.dma_semaphore, #tpu.memory_space<semaphore_mem>>)
        %dma_wait3A = arith.constant 0 : i32
        %dma_wait3A_23 = tpu.memref_slice %arg8[%add3A_19, %dma_wait3A] : memref<4096x912xf32, #tpu.memory_space<hbm>> -> memref<8x912xf32, #tpu.memory_space<hbm>>
        %dma_wait3A_24 = arith.constant 0 : i32
        %dma_wait3A_25 = tpu.memref_slice %arg8[%add3A_19, %dma_wait3A_24] : memref<4096x912xf32, #tpu.memory_space<hbm>> -> memref<8x912xf32, #tpu.memory_space<hbm>>
        tpu.wait_dma2 semaphore(%run_scoped3A : memref<!tpu.dma_semaphore, #tpu.memory_space<semaphore_mem>>) src(%arg13 : memref<8x912xf32, #tpu.memory_space<vmem>>) dst(%dma_wait3A_25 : memref<8x912xf32, #tpu.memory_space<hbm>>)
        tpu.yield
      }) : () -> ()
    }
    %scan3A_9 = arith.constant 16 : i32
    return
  }
}

module attributes {stable_mosaic.version = 14 : i64} {
  func.func @_pad_body(%arg0: i32, %arg1: memref<512x300xf32, #tpu.memory_space<vmem>>, %arg2: memref<512x384xf32, #tpu.memory_space<vmem>>) attributes {dimension_semantics = [#tpu.dimension_semantics<arbitrary>], iteration_bounds = array<i64: 490>, scalar_prefetch = 0 : i64, scratch_operands = 0 : i64, tpu.core_type = #tpu.core_type<tc>, window_params = [{transform_indices = @transform_0, window_bounds = array<i64: 512, 300>}, {transform_indices = @transform_1, window_bounds = array<i64: 512, 384>}]} {
    %get3A = arith.constant 0 : index
    %get3A_0 = arith.constant 0 : index
    %get3A_1 = vector.load %arg1[%get3A, %get3A_0] : memref<512x300xf32, #tpu.memory_space<vmem>>, vector<512x300xf32>
    %pad3A = arith.constant 0.000000e+00 : f32
    %pad3A_2 = vector.broadcast %pad3A : f32 to vector<512x84xf32>
    %pad3A_3 = tpu.concatenate %get3A_1, %pad3A_2 in 1 : vector<512x300xf32>, vector<512x84xf32> -> vector<512x384xf32>
    %swap3A = arith.constant 0 : index
    %swap3A_4 = arith.constant 0 : index
    %swap3A_5 = vector.load %arg2[%swap3A, %swap3A_4] : memref<512x384xf32, #tpu.memory_space<vmem>>, vector<512x384xf32>
    tpu.vector_store %arg2[%swap3A, %swap3A_4], %pad3A_3 {strides = array<i32>} : memref<512x384xf32, #tpu.memory_space<vmem>>, vector<512x384xf32>,
    return
  }
  func.func @transform_0(%arg0: i32) -> (i32, i32) {
    %c0_i32 = arith.constant 0 : i32
    %c0_i32_0 = arith.constant 0 : i32
    return %arg0, %c0_i32 : i32, i32
  }
  func.func @transform_1(%arg0: i32) -> (i32, i32) {
    %c0_i32 = arith.constant 0 : i32
    %c0_i32_0 = arith.constant 0 : i32
    return %arg0, %c0_i32 : i32, i32
  }
}

module attributes {stable_mosaic.version = 14 : i64} {
  func.func @_pad_body(%arg0: i32, %arg1: memref<512x300xf32, #tpu.memory_space<vmem>>, %arg2: memref<512x384xf32, #tpu.memory_space<vmem>>) attributes {dimension_semantics = [#tpu.dimension_semantics<arbitrary>], iteration_bounds = array<i64: 196>, scalar_prefetch = 0 : i64, scratch_operands = 0 : i64, tpu.core_type = #tpu.core_type<tc>, window_params = [{transform_indices = @transform_0, window_bounds = array<i64: 512, 300>}, {transform_indices = @transform_1, window_bounds = array<i64: 512, 384>}]} {
    %get3A = arith.constant 0 : index
    %get3A_0 = arith.constant 0 : index
    %get3A_1 = vector.load %arg1[%get3A, %get3A_0] : memref<512x300xf32, #tpu.memory_space<vmem>>, vector<512x300xf32>
    %pad3A = arith.constant 0.000000e+00 : f32
    %pad3A_2 = vector.broadcast %pad3A : f32 to vector<512x84xf32>
    %pad3A_3 = tpu.concatenate %get3A_1, %pad3A_2 in 1 : vector<512x300xf32>, vector<512x84xf32> -> vector<512x384xf32>
    %swap3A = arith.constant 0 : index
    %swap3A_4 = arith.constant 0 : index
    %swap3A_5 = vector.load %arg2[%swap3A, %swap3A_4] : memref<512x384xf32, #tpu.memory_space<vmem>>, vector<512x384xf32>
    tpu.vector_store %arg2[%swap3A, %swap3A_4], %pad3A_3 {strides = array<i32>} : memref<512x384xf32, #tpu.memory_space<vmem>>, vector<512x384xf32>,
    return
  }
  func.func @transform_0(%arg0: i32) -> (i32, i32) {
    %c0_i32 = arith.constant 0 : i32
    %c0_i32_0 = arith.constant 0 : i32
    return %arg0, %c0_i32 : i32, i32
  }
  func.func @transform_1(%arg0: i32) -> (i32, i32) {
    %c0_i32 = arith.constant 0 : i32
    %c0_i32_0 = arith.constant 0 : i32
    return %arg0, %c0_i32 : i32, i32
  }
}

module attributes {stable_mosaic.version = 14 : i64} {
  func.func @_mlp_body(%arg0: i32, %arg1: memref<512x912xf32, #tpu.memory_space<vmem>>, %arg2: memref<912x256xf32, #tpu.memory_space<vmem>>, %arg3: memref<1x256xf32, #tpu.memory_space<vmem>>, %arg4: memref<256x128xf32, #tpu.memory_space<vmem>>, %arg5: memref<1x128xf32, #tpu.memory_space<vmem>>, %arg6: memref<512x128xf32, #tpu.memory_space<vmem>>) attributes {dimension_semantics = [#tpu.dimension_semantics<arbitrary>], iteration_bounds = array<i64: 8>, scalar_prefetch = 0 : i64, scratch_operands = 0 : i64, tpu.core_type = #tpu.core_type<tc>, window_params = [{transform_indices = @transform_0, window_bounds = array<i64: 512, 912>}, {pipeline_mode = #tpu.pipeline_mode<synchronous>, transform_indices = @transform_1, window_bounds = array<i64: 912, 256>}, {pipeline_mode = #tpu.pipeline_mode<synchronous>, transform_indices = @transform_2, window_bounds = array<i64: 1, 256>}, {pipeline_mode = #tpu.pipeline_mode<synchronous>, transform_indices = @transform_3, window_bounds = array<i64: 256, 128>}, {pipeline_mode = #tpu.pipeline_mode<synchronous>, transform_indices = @transform_4, window_bounds = array<i64: 1, 128>}, {transform_indices = @transform_5, window_bounds = array<i64: 512, 128>}]} {
    %get3A = arith.constant 0 : index
    %get3A_0 = arith.constant 0 : index
    %get3A_1 = vector.load %arg1[%get3A, %get3A_0] : memref<512x912xf32, #tpu.memory_space<vmem>>, vector<512x912xf32>
    %get3A_2 = arith.constant 0 : index
    %get3A_3 = arith.constant 0 : index
    %get3A_4 = vector.load %arg2[%get3A_2, %get3A_3] : memref<912x256xf32, #tpu.memory_space<vmem>>, vector<912x256xf32>
    %dot_general3A = arith.constant dense<0.000000e+00> : vector<512x256xf32>
    %dot_general3A_5 = tpu.matmul %get3A_1, %get3A_4, %dot_general3A {dimension_numbers = #tpu.dot_dimension_numbers<[1], [0], [0], [1], [0, 0, 1, 1], [], []>, transpose_lhs_hint = false} : vector<512x912xf32>, vector<912x256xf32>, vector<512x256xf32> -> vector<512x256xf32>
    %get3A_6 = arith.constant 0 : index
    %get3A_7 = arith.constant 0 : index
    %get3A_8 = vector.load %arg3[%get3A_6, %get3A_7] : memref<1x256xf32, #tpu.memory_space<vmem>>, vector<1x256xf32>
    %add3A = vector.broadcast %get3A_8 : vector<1x256xf32> to vector<512x256xf32>
    %add3A_9 = arith.addf %dot_general3A_5, %add3A : vector<512x256xf32>
    %max3A = arith.constant 0.000000e+00 : f32
    %max3A_10 = vector.broadcast %max3A : f32 to vector<512x256xf32>
    %max3A_11 = arith.maximumf %add3A_9, %max3A_10 : vector<512x256xf32>
    %get3A_12 = arith.constant 0 : index
    %get3A_13 = arith.constant 0 : index
    %get3A_14 = vector.load %arg4[%get3A_12, %get3A_13] : memref<256x128xf32, #tpu.memory_space<vmem>>, vector<256x128xf32>
    %dot_general3A_15 = arith.constant dense<0.000000e+00> : vector<512x128xf32>
    %dot_general3A_16 = tpu.matmul %max3A_11, %get3A_14, %dot_general3A_15 {dimension_numbers = #tpu.dot_dimension_numbers<[1], [0], [0], [1], [0, 0, 1, 1], [], []>, transpose_lhs_hint = false} : vector<512x256xf32>, vector<256x128xf32>, vector<512x128xf32> -> vector<512x128xf32>
    %get3A_17 = arith.constant 0 : index
    %get3A_18 = arith.constant 0 : index
    %get3A_19 = vector.load %arg5[%get3A_17, %get3A_18] : memref<1x128xf32, #tpu.memory_space<vmem>>, vector<1x128xf32>
    %add3A_20 = vector.broadcast %get3A_19 : vector<1x128xf32> to vector<512x128xf32>
    %add3A_21 = arith.addf %dot_general3A_16, %add3A_20 : vector<512x128xf32>
    %swap3A = arith.constant 0 : index
    %swap3A_22 = arith.constant 0 : index
    %swap3A_23 = vector.load %arg6[%swap3A, %swap3A_22] : memref<512x128xf32, #tpu.memory_space<vmem>>, vector<512x128xf32>
    tpu.vector_store %arg6[%swap3A, %swap3A_22], %add3A_21 {strides = array<i32>} : memref<512x128xf32, #tpu.memory_space<vmem>>, vector<512x128xf32>,
    return
  }
  func.func @transform_0(%arg0: i32) -> (i32, i32) {
    %c0_i32 = arith.constant 0 : i32
    %c0_i32_0 = arith.constant 0 : i32
    return %arg0, %c0_i32 : i32, i32
  }
  func.func @transform_1(%arg0: i32) -> (i32, i32) {
    %c0_i32 = arith.constant 0 : i32
    %c0_i32_0 = arith.constant 0 : i32
    %c0_i32_1 = arith.constant 0 : i32
    return %c0_i32, %c0_i32_0 : i32, i32
  }
  func.func @transform_2(%arg0: i32) -> (i32, i32) {
    %c0_i32 = arith.constant 0 : i32
    %c0_i32_0 = arith.constant 0 : i32
    %c0_i32_1 = arith.constant 0 : i32
    return %c0_i32, %c0_i32_0 : i32, i32
  }
  func.func @transform_3(%arg0: i32) -> (i32, i32) {
    %c0_i32 = arith.constant 0 : i32
    %c0_i32_0 = arith.constant 0 : i32
    %c0_i32_1 = arith.constant 0 : i32
    return %c0_i32, %c0_i32_0 : i32, i32
  }
  func.func @transform_4(%arg0: i32) -> (i32, i32) {
    %c0_i32 = arith.constant 0 : i32
    %c0_i32_0 = arith.constant 0 : i32
    %c0_i32_1 = arith.constant 0 : i32
    return %c0_i32, %c0_i32_0 : i32, i32
  }
  func.func @transform_5(%arg0: i32) -> (i32, i32) {
    %c0_i32 = arith.constant 0 : i32
    %c0_i32_0 = arith.constant 0 : i32
    return %arg0, %c0_i32 : i32, i32
  }
}

</mosaic_0001>

<sc_bundles>
// kernel: kernel.7.cloned.1.call-start
scs
__scs_entry_jumppad:
0x0: {  	(pc) =	sbr.rel $0x88, $3  }
0x1: {  	(tag) =	ssettag $0x0;
	lr =	simm.s32 $0x1  }
0x2: {  	[smem:$0x3F97] =	sst lr;
	_ =	strace $0xD0000000  }
0x3: {  	_ = 	snop  }
0x4: {  	_ = 	snop  }
0x5: {  	_ = 	snop  }
0x6: {  	_ = 	snop  }
0x7: {  	_ = 	snop  }
__scs_overlays_trampoline_lowered:
0x8: {  	[smem:$0x3FA6] =	sst s0  }
0x9: {  	[smem:$0x3FA7] =	sst s1  }
0xa: {  	[smem:$0x3FA8] =	sst s2  }
0xb: {  	[smem:$0x3FA9] =	sst s3  }
0xc: {  	[smem:$0x3FAA] =	sst s4  }
0xd: {  	[smem:$0x3FAB] =	sst s5  }
0xe: {  	[smem:$0x3FAC] =	sst s6  }
0xf: {  	[smem:$0x3FAD] =	sst s7  }
0x10: {  	[smem:$0x3FAE] =	sst s8  }
0x11: {  	[smem:$0x3FAF] =	sst s9;
	s0 =	simm.s32 @!p0 $0x0  }
0x12: {  	s1 =	sld [smem:$0x3F95];
	s0 =	simm.s32 @p0 $0x1  }
0x13: {  	[smem:$0x3FB0] =	sst s0;
	s0 =	simm.s32 @!p1 $0x0  }
0x14: {  	s2 =	sld [smem:$0x3F94];
	s0 =	simm.s32 @p1 $0x1  }
0x15: {  	[smem:$0x3FB1] =	sst s0;
	s0 =	simm.s32 @!p2 $0x0  }
0x16: {  	s3 =	sld [smem:$0x3FDB];
	s0 =	simm.s32 @p2 $0x1  }
0x17: {  	s4 =	simm.s32 $0x1BF5;
	[smem:$0x3FB3] =	sst s0  }
0x18: {  	s0 =	sld [smem:$0x3F96];
	_ =	swait.ge [sflag:s4], $0x0  }
0x19: {  	s7 =	sld [smem:$0x3F97]  }
0x1a: {  	s8 =	sadd.s32 $0xFFFFE003, lr  }
0x1b: {  	s9 =	sadd.s32 $0xFFFFFEF7, lr;
	s5 =	simm.s32 $0xFFFFFFFF;
	p2 =	slt.u32 s8, $0xFFFFF086  }
0x1c: {  	p1 =	slt.u32 s9, $0xF7A;
	s5 =	simm.s32 @!p2 $0x0  }
0x1d: {  	s5 =	simm.s32 @p1 $0x1;
	p0 =	seq.s32 s7, s2  }
0x1e: {  	s7 =	smul.u32 @!p0 $0xF7A, s2;
	p2 =	seq.s32 @!p0 s5, $0x0  }
0x1f: {  	s9 =	smul.u32 $0xF7A, s1;
	s8 =	simm.s32 @!p0 $0x1BF5;
	p2 =	por !p2, p0  }
0x20: {  	[sflag:s8] =	ssyncset.s32 @!p0 $0xFFFFF086;
	s6 =	sadd.s32 @!p0 s3, s7;
	s7 =	simm.s32 @!p0 $0x108  }
0x21: {  	s3 =	sadd.s32 s3, s9;
	s6 =	sadd.s32 @!p0 $0x88, s6;
	s7 =	simm.s32 @p2 $0x1082  }
0x22: {  	[simem:s7], [sflag:s8] =	dma.local @!p0 [hbm:s6], $0xF7A  }
0x23: {  	s9 =	sor.u32 $0xD0000000, s2;
	s6 =	simm.s32 $0x108;
	_ =	swait.ge @!p0 [sflag:s8], $0x0  }
0x24: {  	s3 =	sadd.s32 $0x88, s3;
	s6 =	simm.s32 @!p1 $0x1082;
	[sflag:s4] =	ssyncset.s32 $0xFFFFF086  }
0x25: {  	[simem:s6], [sflag:s4] =	dma.local [hbm:s3], $0xF7A  }
0x26: {  	[smem:$0x3F97] =	sst s1;
	(tag) =	ssettag s2;
	_ =	strace s9  }
0x27: {  	s1 =	sld [smem:$0x3FA7]  }
0x28: {  	s2 =	sld [smem:$0x3FA8]  }
0x29: {  	s4 =	sld [smem:$0x3FAA]  }
0x2a: {  	p0 =	seq.s32 s5, $0x0;
	s5 =	sld [smem:$0x3FAB]  }
0x2b: {  	s6 =	sld [smem:$0x3FAC]  }
0x2c: {  	s7 =	sld [smem:$0x3FAD]  }
0x2d: {  	s3 =	simm.s32 $0x108;
	s8 =	sld [smem:$0x3FAE]  }
0x2e: {  	s3 =	simm.s32 @!p0 $0x1082;
	s9 =	sld [smem:$0x3FAF]  }
0x2f: {  	lr =	sadd.s32 s0, s3;
	s0 =	sld [smem:$0x3FA6]  }
0x30: {  	s3 =	sld [smem:$0x3FA9]  }
0x31: {  	[smem:$0x3FB2] =	sst s10  }
0x32: {  	s10 =	sld [smem:$0x3FB0];
	_ =	sdelay $0x3  }
0x33: {  	p0 =	seq.s32 s10, $0x1;
	s10 =	sld [smem:$0x3FB2];
	_ =	sdelay $0x3  }
0x34: {  	[smem:$0x3FB2] =	sst s10  }
0x35: {  	s10 =	sld [smem:$0x3FB1];
	_ =	sdelay $0x3  }
0x36: {  	p1 =	seq.s32 s10, $0x1;
	s10 =	sld [smem:$0x3FB2];
	_ =	sdelay $0x3  }
0x37: {  	[smem:$0x3FB2] =	sst s10  }
0x38: {  	s10 =	sld [smem:$0x3FB3]  }
0x39: {  	_ = 	snop;
	(pc) =	sbr.ind lr, $3  }
0x3a: {  	_ = 	snop  }
0x3b: {  	_ = 	snop  }
0x3c: {  	p2 =	seq.s32 s10, $0x1;
	s10 =	sld [smem:$0x3FB2]  }
0x3d: {  	_ =	shalt  }
0x3e: {  	_ =	shalt  }
0x3f: {  	_ =	shalt  }
0x40: {  	_ =	shalt  }
0x41: {  	_ =	shalt  }
0x42: {  	_ =	shalt  }
0x43: {  	_ =	shalt  }
0x44: {  	_ =	shalt  }
0x45: {  	_ =	shalt  }
0x46: {  	_ =	shalt  }
0x47: {  	_ =	shalt  }
0x48: {  	_ =	shalt  }
0x49: {  	_ =	shalt  }
0x4a: {  	_ =	shalt  }
0x4b: {  	_ =	shalt  }
0x4c: {  	_ =	shalt  }
0x4d: {  	_ =	shalt  }
0x4e: {  	_ =	shalt  }
0x4f: {  	_ =	shalt  }
0x50: {  	_ =	shalt  }
0x51: {  	_ =	shalt  }
0x52: {  	_ =	shalt  }
0x53: {  	_ =	shalt  }
0x54: {  	_ =	shalt  }
0x55: {  	_ =	shalt  }
0x56: {  	_ =	shalt  }
0x57: {  	_ =	shalt  }
0x58: {  	_ =	shalt  }
0x59: {  	_ =	shalt  }
0x5a: {  	_ =	shalt  }
0x5b: {  	_ =	shalt  }
0x5c: {  	_ =	shalt  }
0x5d: {  	_ =	shalt  }
0x5e: {  	_ =	shalt  }
0x5f: {  	_ =	shalt  }
0x60: {  	_ =	shalt  }
0x61: {  	_ =	shalt  }
0x62: {  	_ =	shalt  }
0x63: {  	_ =	shalt  }
0x64: {  	_ =	shalt  }
0x65: {  	_ =	shalt  }
0x66: {  	_ =	shalt  }
0x67: {  	_ =	shalt  }
0x68: {  	_ =	shalt  }
0x69: {  	_ =	shalt  }
0x6a: {  	_ =	shalt  }
0x6b: {  	_ =	shalt  }
0x6c: {  	_ =	shalt  }
0x6d: {  	_ =	shalt  }
0x6e: {  	_ =	shalt  }
0x6f: {  	_ =	shalt  }
0x70: {  	_ =	shalt  }
0x71: {  	_ =	shalt  }
0x72: {  	_ =	shalt  }
0x73: {  	_ =	shalt  }
0x74: {  	_ =	shalt  }
0x75: {  	_ =	shalt  }
0x76: {  	_ =	shalt  }
0x77: {  	_ =	shalt  }
0x78: {  	_ =	shalt  }
0x79: {  	_ =	shalt  }
0x7a: {  	_ =	shalt  }
0x7b: {  	_ =	shalt  }
0x7c: {  	_ =	shalt  }
0x7d: {  	_ =	shalt  }
0x7e: {  	_ =	shalt  }
0x7f: {  	_ =	shalt  }
0x80: {  	_ =	shalt  }
0x81: {  	_ =	shalt  }
0x82: {  	_ =	shalt  }
0x83: {  	_ =	shalt  }
0x84: {  	_ =	shalt  }
0x85: {  	_ =	shalt  }
0x86: {  	_ =	shalt  }
0x87: {  	_ =	shalt  }
.Lfunc_end0:
.L_simem_size_0:
called_computation_lowered:
.L_overlay_start_0:
0x88: {  	s2 =	sld [smem:$0x3FD9]  }
0x89: {  	s3 =	sld [smem:$0x3FFE];
	_ =	sdelay $0x1  }
0x8a: {  	s1 =	srdreg.scid  }
0x8b: {  	s0 =	sand.u32 $0x1, s1  }
0x8c: {  	s16 =	sshll.u32 s0, $0xA;
	s2 =	sadd.s32 s3, s2  }
0x8d: {  	s2 =	sadd.s32 s2, s16  }
0x8e: {  	[smem:$0x3FBE] =	sst s2  }
0x8f: {  	_ = 	snop  }
0x90: {  	(tm) =	ssettm $0x1  }
0x91: {  	s17 =	sld [smem:$0x3FFB];
	_ =	sdelay $0x3  }
0x92: {  	_ =	strace s17  }
0x93: {  	s2 =	sld [smem:$0x3FFC];
	_ =	sdelay $0x3  }
0x94: {  	_ =	strace s2  }
0x95: {  	s2 =	sld [smem:$0x3FFD];
	_ =	sdelay $0x3  }
0x96: {  	_ =	strace s2  }
0x97: {  	_ =	strace $0x8FFFFFFF  }
0x98: {  	s18 =	sld [smem:$0x3FDB];
	_ =	sdelay $0x1  }
0x99: {  	s19 =	simm.s32 $_scs_section_size  }
0x9a: {  	s4 =	simm.s32 $_size__tile_overlayer_lowered;
	s5 =	simm.s32 $_tile_overlayer_lowered  }
0x9b: {  	s22 =	simm.s32 $0x1BFF;
	s21 =	sshll.u32 s5, $0x1;
	s2 =	sadd.s32 s19, s18  }
0x9c: {  	s6 =	simm.s32 $0x0;
	s20 =	sshll.u32 s4, $0x1;
	s4 =	sadd.s32 s21, s2  }
0x9d: {  	[timem:s6], [sflag:s22] =	dma.local [hbm:s4], s20  }
0x9e: {  	_ =	swait.ge [sflag:s22], s20  }
0x9f: {  	s3 =	ssub.s32 $0x0, s20;
	[sflag:s22] =	ssyncset.done $0x0  }
0xa0: {  	[sflag:s22] =	ssyncadd.s32 s3;
	_ =	sdelay $0x1  }
0xa1: {  	s23 =	simm.s32 $0x1B8B  }
0xa2: {  	_ =	swait.ge [sflag:s23], $0x1  }
0xa3: {  	[sflag:s23] =	ssyncset.done $0x0  }
0xa4: {  	s25 =	simm.s32 $0x1B8E;
	s24 =	sld [smem:$0x3FFE];
	[sflag:s23] =	ssyncadd.s32 $0xFFFFFFFF  }
0xa5: {  	s26 =	simm.s32 $execute0_lowered;
	[smem:$0x3FD2] =	sst s25  }
0xa6: {  	s4 =	sshll.u32 s26, $0x1;
	_ =	strace $0x80000046;
	[dreg:$0x1] =	wrdreg $0xFFFFFFFF  }
0xa7: {  	s28 =	simm.s32 $_size_execute0_lowered;
	s2 =	sadd.s32 s2, s4;
	[dreg:$0x0] =	wrdreg $0x0  }
0xa8: {  	s4 =	sshll.u32 s28, $0x1;
	[dreg:$0x2] =	wrdreg s2  }
0xa9: {  	[dreg:$0x3] =	wrdreg s4  }
0xaa: {  	[dreg:$0x4] =	wrdreg $0xC0  }
0xab: {  	_ =	task [dreg:s6], $0x5FFFF  }
0xac: {  	[dreg:$0x1] =	wrdreg $0xFFFFFFFF  }
0xad: {  	[dreg:$0x0] =	wrdreg $0x60  }
0xae: {  	[dreg:$0x2] =	wrdreg s24  }
0xaf: {  	[dreg:$0x3] =	wrdreg $0x9  }
0xb0: {  	_ =	task.clear_ibuf [dreg:s6], $0x4FFFF;
	_ =	strace $0x90000046  }
0xb1: {  	s29 =	simm.s32 $0x9;
	_ =	strace $0x80000048  }
0xb2: {  	_ =	swait.ge [sflag:s29], $0x1  }
0xb3: {  	[sflag:s29] =	ssyncadd.s32 $0xFFFFFFFF  }
0xb4: {  	_ =	strace $0x90000048  }
0xb5: {  	_ =	sfence  }
0xb6: {  	s30 =	sld [smem:$0x0];
	_ =	sdelay $0x2  }
0xb7: {  	s31 =	sshll.u32 s1, $0xD;
	s1 =	sshrl.u32 s1, $0x2  }
0xb8: {  	s3 =	sand.u32 $0x4000, s31;
	s1 =	sadd.s32 s1, s30  }
0xb9: {  	s0 =	sor.u32 s3, s0;
	s1 =	sshll.u32 s1, $0x11  }
0xba: {  	s0 =	sor.u32 s1, s0  }
0xbb: {  	s0 =	sadd.s32 $0x8F2B, s0  }
0xbc: {  	[sflag:s0] =	ssyncadd.remote.s32 $0x1  }
0xbd: {  	_ =	sfence.sel $0xFFFF  }
0xbe: {  	[dreg:$0x0] =	wrdreg $0xFFFFFFFF;
	(pc) =	sbr.abs _section_cstart, $3  }
0xbf: {  	[dreg:$0x1] =	wrdreg $0xFFFFFFFF  }
0xc0: {  	_ =	task.clear_ibuf [dreg:s6], $0x2FFFF;
	_ =	strace $0x9FFFFFFF  }
0xc1: {  	(tm) =	ssettm $0x7FFFFFFF  }
tec
execute0_lowered:
.L_overlay_start_1:
0x0: {  	(tag) =	ssettag $0x1  }
0x1: {  	s0 =	rddreg [dreg:$0x0];
	s1 =	srdreg.scid  }
0x2: {  	s2 =	stileid.u32;
	s4 =	simm.s32 $0x0;
	s18 =	simm.s32 $0xC000  }
0x3: {  	s19 =	simm.s32 $0xC800;
	s20 =	simm.s32 $0xCC00;
	s21 =	simm.s32 $0xD400  }
0x4: {  	s22 =	simm.s32 $0xD800;
	s28 =	simm.s32 $0xF800;
	s29 =	simm.s32 $0xFC00  }
0x5: {  	s30 =	simm.s32 $0x10400;
	s31 =	simm.s32 $0x10800;
	[smem:$0x7FF] =	sst s4  }
0x6: {  	s9 =	simm.s32 $0x0;
	s4 =	sadd.s32 $0xB78C00, s0;
	s5 =	sadd.s32 $0x16F0600, s0  }
0x7: {  	s1 =	sand.u32 $0x1, s1;
	s7 =	sadd.s32 $0x958E00, s0;
	s10 =	sadd.s32 $0x495100, s0  }
0x8: {  	s2 =	sshll.u32 s2, $0x8;
	s11 =	sadd.s32 $0xB78D00, s0;
	s12 =	sadd.s32 $0x16F0700, s0  }
0x9: {  	s3 =	sshll.u32 s1, $0x7;
	_ =	strace $0x80000047;
	s1 =	ssub.s32 $0x2, s1  }
0xa: {  	[dreg:$0x2] =	wrdreg s7;
	s2 =	sor.u32 s3, s2;
	s23 =	sshrl.u32 s1, $0x1  }
0xb: {  	s3 =	sshll.u32 s2, $0x4;
	s1 =	ssub.s32 s1, s23;
	s25 =	sshrl.u32 s2, $0x3  }
0xc: {  	s23 =	simm.s32 $0xE000;
	s6 =	sadd.s32 s3, s0;
	s3 =	sadd.s32 $0x495000, s0  }
0xd: {  	[dreg:$0x6] =	wrdreg s25;
	s26 =	smax.u32 s1, $0x1;
	s25 =	simm.s32 $0xEC00  }
0xe: {  	s0 =	simm.s32 $0x11000;
	s8 =	sadd.s32 $0x928E00, s6;
	[dreg:$0x7] =	wrdreg s26  }
0xf: {  	v2 =	vlaneseq.u32;
	s1 =	simm.s32 $0x1;
	s24 =	sadd.s32 $0x938E00, s6;
	[dreg:$0x3] =	wrdreg s8  }
0x10: {  	vm0 =	vmmov $0xffff;
	vm1 =	vmmov $0xff;
	v1 =	vshrl.u32 v2, $0x3;
	s6 =	sadd.s32 $0x948E00, s6;
	s26 =	simm.s32 $0xF000;
	[dreg:$0x4] =	wrdreg s24  }
0x11: {  	v0 =	vand.u32 $0x7, v2;
	v2 =	vor.u32 $0x8, v2;
	v1 =	vmul.u32 $0x8, v1;
	[dreg:$0x5] =	wrdreg s6;
	s24 =	simm.s32 $0xE400;
	s6 =	simm.s32 $0x0  }
.LBB2_1:
0x12: {  	[dreg:$0x8] =	wrdreg s6  }
0x13: {  	s2 =	simm.s32 $0x0;
	s14 =	rddreg [dreg:$0x3];
	s7 =	simm.s32 $0x2  }
0x14: {  	[tilespmem:s2], [sflag:$0x2] =	stream.linear.gather [hbm4b:s14+s2], $0x4000, $0x38;
	[tilespmem:$0x13400] =	vst v63  }
0x15: {  	_ =	swait.ge [sflag:s7], $0x4000  }
0x16: {  	[sflag:s7] =	ssyncset.done $0x0  }
0x17: {  	s8 =	simm.s32 $0x4000;
	s15 =	rddreg [dreg:$0x4];
	[sflag:s7] =	ssyncadd.s32 $0xFFFFC000  }
0x18: {  	[tilespmem:s8], [sflag:$0x2] =	stream.linear.gather [hbm4b:s15+s2], $0x4000, $0x38;
	[tilespmem:$0x13400] =	vst v63  }
0x19: {  	_ =	swait.ge [sflag:s7], $0x4000  }
0x1a: {  	[sflag:s7] =	ssyncset.done $0x0  }
0x1b: {  	s17 =	simm.s32 $0x8000;
	s16 =	rddreg [dreg:$0x5];
	[sflag:s7] =	ssyncadd.s32 $0xFFFFC000  }
0x1c: {  	[tilespmem:s17], [sflag:$0x2] =	stream.linear.gather [hbm4b:s16+s2], $0x4000, $0x38;
	[tilespmem:$0x13400] =	vst v63  }
0x1d: {  	_ =	swait.ge [sflag:s7], $0x4000  }
0x1e: {  	[sflag:s7] =	ssyncset.done $0x0  }
0x1f: {  	s8 =	simm.s32 $0x0;
	[sflag:s7] =	ssyncadd.s32 $0xFFFFC000  }
.LBB2_2:
0x20: {  	[dreg:$0x9] =	wrdreg s8;
	s8 =	sshll.u32 s8, $0xA  }
0x21: {  	s14 =	simm.s32 $0x0;
	v3 =	vmov s8  }
.LBB2_3:
0x22: {  	_ =	sdelay $0x2  }
0x23: {  	s17 =	sshll.u32 s14, $0x7  }
0x24: {  	v4 =	vld.idx.msk [tilespmem:v3+s17+$0x0 ss:$0x1], $0xffff;
	_ =	sdelay $0x4  }
0x25: {  	v5 =	vshrl.u32 v4, $0x3  }
0x26: {  	v5 =	vmul.u32 $0x18, v5  }
0x27: {  	v4 =	vand.u32 $0x7, v4  }
0x28: {  	v4 =	vor.u32 v4, v5  }
0x29: {  	v5 =	vperm.xlane v4, v0;
	_ =	sdelay $0x1  }
0x2a: {  	v5 =	vadd.s32 v1, v5;
	_ =	sdelay $0x1  }
0x2b: {  	v4 =	vperm.xlane v4, v2;
	_ =	sdelay $0x1  }
0x2c: {  	v4 =	vadd.s32 v1, v4  }
0x2d: {  	[tilespmem:s18], [sflag:$0x1] =	stream.indirect_vreg.gather [hbm4b:s3+s9], $0x80, v5, vm0, $0xb8;
	[tilespmem:$0x13400] =	vst v63  }
0x2e: {  	_ = 	snop  }
0x2f: {  	[tilespmem:s19], [sflag:$0x1] =	stream.indirect_vreg.gather [hbm4b:s10+s9], $0x80, v5, vm1, $0xb8;
	[tilespmem:$0x13400] =	vst v63  }
0x30: {  	_ = 	snop  }
0x31: {  	[tilespmem:s20], [sflag:$0x1] =	stream.indirect_vreg.gather [hbm4b:s3+s9], $0x80, v4, vm0, $0xb8;
	[tilespmem:$0x13400] =	vst v63  }
0x32: {  	_ = 	snop  }
0x33: {  	[tilespmem:s21], [sflag:$0x1] =	stream.indirect_vreg.gather [hbm4b:s10+s9], $0x80, v4, vm1, $0xb8;
	[tilespmem:$0x13400] =	vst v63  }
0x34: {  	v4 =	vld.idx.msk [tilespmem:v3+s17+$0x10 ss:$0x1], $0xffff;
	_ =	sdelay $0x4  }
0x35: {  	v5 =	vshrl.u32 v4, $0x3  }
0x36: {  	v5 =	vmul.u32 $0x18, v5  }
0x37: {  	v4 =	vand.u32 $0x7, v4  }
0x38: {  	v4 =	vor.u32 v4, v5  }
0x39: {  	v5 =	vperm.xlane v4, v0;
	_ =	sdelay $0x1  }
0x3a: {  	v5 =	vadd.s32 v1, v5;
	_ =	sdelay $0x1  }
0x3b: {  	v4 =	vperm.xlane v4, v2;
	_ =	sdelay $0x1  }
0x3c: {  	v4 =	vadd.s32 v1, v4  }
0x3d: {  	[tilespmem:s22], [sflag:$0x1] =	stream.indirect_vreg.gather [hbm4b:s3+s9], $0x80, v5, vm0, $0xb8;
	[tilespmem:$0x13400] =	vst v63  }
0x3e: {  	_ = 	snop  }
0x3f: {  	[tilespmem:s23], [sflag:$0x1] =	stream.indirect_vreg.gather [hbm4b:s10+s9], $0x80, v5, vm1, $0xb8;
	[tilespmem:$0x13400] =	vst v63  }
0x40: {  	_ = 	snop  }
0x41: {  	[tilespmem:s24], [sflag:$0x1] =	stream.indirect_vreg.gather [hbm4b:s3+s9], $0x80, v4, vm0, $0xb8;
	[tilespmem:$0x13400] =	vst v63  }
0x42: {  	_ = 	snop  }
0x43: {  	[tilespmem:s25], [sflag:$0x1] =	stream.indirect_vreg.gather [hbm4b:s10+s9], $0x80, v4, vm1, $0xb8;
	[tilespmem:$0x13400] =	vst v63  }
0x44: {  	v4 =	vld.idx.msk [tilespmem:v3+s17+$0x20 ss:$0x1], $0xffff;
	_ =	sdelay $0x4  }
0x45: {  	v5 =	vshrl.u32 v4, $0x3  }
0x46: {  	v5 =	vmul.u32 $0x18, v5  }
0x47: {  	v4 =	vand.u32 $0x7, v4  }
0x48: {  	v4 =	vor.u32 v4, v5  }
0x49: {  	v5 =	vperm.xlane v4, v0;
	_ =	sdelay $0x1  }
0x4a: {  	v5 =	vadd.s32 v1, v5;
	_ =	sdelay $0x1  }
0x4b: {  	v4 =	vperm.xlane v4, v2;
	_ =	sdelay $0x1  }
0x4c: {  	v4 =	vadd.s32 v1, v4  }
0x4d: {  	[tilespmem:s26], [sflag:$0x1] =	stream.indirect_vreg.gather [hbm4b:s3+s9], $0x80, v5, vm0, $0xb8;
	[tilespmem:$0x13400] =	vst v63  }
0x4e: {  	_ = 	snop  }
0x4f: {  	[tilespmem:s28], [sflag:$0x1] =	stream.indirect_vreg.gather [hbm4b:s10+s9], $0x80, v5, vm1, $0xb8;
	[tilespmem:$0x13400] =	vst v63  }
0x50: {  	_ = 	snop  }
0x51: {  	[tilespmem:s29], [sflag:$0x1] =	stream.indirect_vreg.gather [hbm4b:s3+s9], $0x80, v4, vm0, $0xb8;
	[tilespmem:$0x13400] =	vst v63  }
0x52: {  	_ = 	snop  }
0x53: {  	[tilespmem:s30], [sflag:$0x1] =	stream.indirect_vreg.gather [hbm4b:s10+s9], $0x80, v4, vm1, $0xb8;
	[tilespmem:$0x13400] =	vst v63  }
0x54: {  	v4 =	vld.idx.msk [tilespmem:v3+s17+$0x30 ss:$0x1], $0xff;
	_ =	sdelay $0x4  }
0x55: {  	v5 =	vshrl.u32 v4, $0x3  }
0x56: {  	v5 =	vmul.u32 $0x18, v5  }
0x57: {  	v4 =	vand.u32 $0x7, v4  }
0x58: {  	v4 =	vor.u32 v4, v5  }
0x59: {  	v4 =	vperm.xlane v4, v0;
	_ =	sdelay $0x1  }
0x5a: {  	v4 =	vadd.s32 v1, v4;
	_ =	sdelay $0x3  }
0x5b: {  	s2 =	simm.s32 $0x0  }
0x5c: {  	[tilespmem:s31], [sflag:$0x1] =	stream.indirect_vreg.gather [hbm4b:s3+s9], $0x80, v4, vm0, $0xb8;
	[tilespmem:$0x13400] =	vst v63  }
0x5d: {  	s2 =	smul.u32 $0x3000, s2  }
0x5e: {  	[tilespmem:s0], [sflag:$0x1] =	stream.indirect_vreg.gather [hbm4b:s10+s9], $0x80, v4, vm1, $0xb8;
	[tilespmem:$0x13400] =	vst v63  }
0x5f: {  	_ =	swait.ge [sflag:s1], $0x5400  }
0x60: {  	s6 =	sand.u32 $0x380, s9;
	s2 =	sshra.s32 s2, $0x2;
	[sflag:s1] =	ssyncset.done $0x0  }
0x61: {  	s2 =	sor.u32 s6, s2;
	[sflag:s1] =	ssyncadd.s32 $0xFFFFAC00  }
0x62: {  	v4 =	vld [tilespmem:s2+$0xC820]  }
0x63: {  	v5 =	vld [tilespmem:s2+$0xC000]  }
0x64: {  	v7 =	vld [tilespmem:s2+$0xC010]  }
0x65: {  	v8 =	vld [tilespmem:s2+$0xC020]  }
0x66: {  	v9 =	vld [tilespmem:s2+$0xC030]  }
0x67: {  	v10 =	vld [tilespmem:s2+$0xC040]  }
0x68: {  	v11 =	vld [tilespmem:s2+$0xC050]  }
0x69: {  	v12 =	vld [tilespmem:s2+$0xC060]  }
0x6a: {  	v6 =	vimm.f32 $0.0e+00;
	v13 =	vld [tilespmem:s2+$0xC070]  }
0x6b: {  	v14 =	vld [tilespmem:s2+$0xC400];
	v4 =	vadd.f32 v4, v6  }
0x6c: {  	v22 =	vadd.f32 v5, v6;
	v21 =	vadd.f32 v7, v6  }
0x6d: {  	v20 =	vadd.f32 v8, v6;
	v19 =	vadd.f32 v9, v6  }
0x6e: {  	v27 =	vld [tilespmem:s2+$0xC410];
	v18 =	vadd.f32 v10, v6;
	v17 =	vadd.f32 v11, v6  }
0x6f: {  	v26 =	vld [tilespmem:s2+$0xC420];
	v16 =	vadd.f32 v12, v6;
	v15 =	vadd.f32 v13, v6  }
0x70: {  	v23 =	vld [tilespmem:s2+$0xC430];
	v13 =	vadd.f32 v14, v6;
	v14 =	vimm.f32 $0.0e+00;
	v12 =	vimm.f32 $0.0e+00  }
0x71: {  	s15 =	simm.s32 $0x0;
	v24 =	vld [tilespmem:s2+$0xC440];
	v11 =	vimm.f32 $0.0e+00;
	v10 =	vimm.f32 $0.0e+00;
	v8 =	vimm.f32 $0.0e+00  }
0x72: {  	s13 =	simm.s32 $0x2;
	s16 =	sadd.s32 s8, s17;
	s6 =	simm.s32 $0x0;
	v25 =	vld [tilespmem:s2+$0xC450];
	v9 =	vimm.f32 $0.0e+00;
	v7 =	vimm.f32 $0.0e+00;
	v5 =	vimm.f32 $0.0e+00  }
.LBB2_4:
0x73: {  	p0 =	sne.s32 s13, $0x31;
	s15 =	smul.u32 $0x3000, s15;
	v6 =	vadd.f32 v27, v6;
	v27 =	vld [tilespmem:s2+$0xC460]  }
0x74: {  	s6 =	sadd.s32 $0x80, s6;
	v14 =	vadd.f32 v26, v14;
	v26 =	vld [tilespmem:s2+$0xC470]  }
0x75: {  	s7 =	sand.u32 $0x380, s6;
	s15 =	sshra.s32 s15, $0x2;
	v12 =	vadd.f32 v23, v12;
	v23 =	vld [tilespmem:s2+$0xC800]  }
0x76: {  	v11 =	vadd.f32 v24, v11;
	v24 =	vld [tilespmem:s2+$0xC810];
	s2 =	sor.u32 s7, s15  }
0x77: {  	v28 =	vld [tilespmem:s2+$0xC820];
	v10 =	vadd.f32 v25, v10  }
0x78: {  	v25 =	vld [tilespmem:s2+$0xC000];
	v8 =	vadd.f32 v27, v8  }
0x79: {  	v27 =	vld [tilespmem:s2+$0xC010];
	v9 =	vadd.f32 v26, v9  }
0x7a: {  	v26 =	vld [tilespmem:s2+$0xC020];
	v7 =	vadd.f32 v23, v7  }
0x7b: {  	v23 =	vld [tilespmem:s2+$0xC030];
	v5 =	vadd.f32 v24, v5  }
0x7c: {  	v24 =	vld [tilespmem:s2+$0xC040];
	v4 =	vadd.f32 v28, v4  }
0x7d: {  	v22 =	vadd.f32 v25, v22;
	v25 =	vld [tilespmem:s2+$0xC050]  }
0x7e: {  	v21 =	vadd.f32 v27, v21;
	v28 =	vld [tilespmem:s2+$0xC060]  }
0x7f: {  	v20 =	vadd.f32 v26, v20;
	v29 =	vld [tilespmem:s2+$0xC070]  }
0x80: {  	v19 =	vadd.f32 v23, v19;
	v30 =	vld [tilespmem:s2+$0xC400]  }
.Ltmp0:
0x81: {  	v18 =	vadd.f32 v24, v18;
	v27 =	vld [tilespmem:s2+$0xC410];
	(pc) =	sbr.rel @p0 .LBB2_4-.Ltmp0, $4  }
0x82: {  	v17 =	vadd.f32 v25, v17;
	v26 =	vld [tilespmem:s2+$0xC420]  }
0x83: {  	v16 =	vadd.f32 v28, v16;
	v23 =	vld [tilespmem:s2+$0xC430]  }
0x84: {  	v15 =	vadd.f32 v29, v15;
	v24 =	vld [tilespmem:s2+$0xC440]  }
0x85: {  	s15 =	sshrl.u32 s13, $0x3;
	s13 =	sadd.s32 $0x1, s13;
	v13 =	vadd.f32 v30, v13;
	v25 =	vld [tilespmem:s2+$0xC450]  }
0x86: {  	s7 =	smul.u32 $0x3000, s15;
	v28 =	vld [tilespmem:s2+$0xC460]  }
0x87: {  	v29 =	vld [tilespmem:s2+$0xC470];
	s6 =	sadd.s32 $0x80, s6  }
0x88: {  	v30 =	vld [tilespmem:s2+$0xC800];
	s6 =	sand.u32 $0x380, s6;
	s7 =	sshra.s32 s7, $0x2  }
0x89: {  	v31 =	vld [tilespmem:s2+$0xC810];
	s6 =	sor.u32 s6, s7  }
0x8a: {  	v32 =	vld [tilespmem:s6+$0xC820]  }
0x8b: {  	v33 =	vld [tilespmem:s6+$0xC000]  }
0x8c: {  	v34 =	vld [tilespmem:s6+$0xC010]  }
0x8d: {  	v35 =	vld [tilespmem:s6+$0xC020]  }
0x8e: {  	v36 =	vld [tilespmem:s6+$0xC030]  }
0x8f: {  	v37 =	vld [tilespmem:s6+$0xC040]  }
0x90: {  	v38 =	vld [tilespmem:s6+$0xC050]  }
0x91: {  	v39 =	vld [tilespmem:s6+$0xC060]  }
0x92: {  	v40 =	vld [tilespmem:s6+$0xC070]  }
0x93: {  	v41 =	vld [tilespmem:s6+$0xC400]  }
0x94: {  	v42 =	vld [tilespmem:s6+$0xC410]  }
0x95: {  	v43 =	vld [tilespmem:s6+$0xC420]  }
0x96: {  	v44 =	vld [tilespmem:s6+$0xC430]  }
0x97: {  	v45 =	vld [tilespmem:s6+$0xC440]  }
0x98: {  	v46 =	vld [tilespmem:s6+$0xC450];
	v22 =	vadd.f32 v33, v22  }
0x99: {  	v60 =	vld [tilespmem:s6+$0xC460];
	v21 =	vadd.f32 v34, v21  }
0x9a: {  	v61 =	vld [tilespmem:s6+$0xC470];
	v20 =	vadd.f32 v35, v20;
	v22 =	vmul.f32 $1.999999960e-02, v22  }
0x9b: {  	v62 =	vld [tilespmem:s6+$0xC800];
	v19 =	vadd.f32 v36, v19;
	v21 =	vmul.f32 $1.999999960e-02, v21  }
0x9c: {  	v63 =	vld [tilespmem:s6+$0xC810];
	v18 =	vadd.f32 v37, v18;
	v20 =	vmul.f32 $1.999999960e-02, v20;
	[tilespmem:s17+$0x11400] =	vst v22  }
0x9d: {  	v17 =	vadd.f32 v38, v17;
	v19 =	vmul.f32 $1.999999960e-02, v19;
	[tilespmem:s17+$0x11410] =	vst v21  }
0x9e: {  	v16 =	vadd.f32 v39, v16;
	v18 =	vmul.f32 $1.999999960e-02, v18;
	[tilespmem:s17+$0x11420] =	vst v20  }
0x9f: {  	v6 =	vadd.f32 v27, v6;
	v15 =	vadd.f32 v40, v15;
	v17 =	vmul.f32 $1.999999960e-02, v17;
	[tilespmem:s17+$0x11430] =	vst v19  }
0xa0: {  	v11 =	vadd.f32 v24, v11;
	v13 =	vadd.f32 v41, v13;
	v16 =	vmul.f32 $1.999999960e-02, v16;
	[tilespmem:s17+$0x11440] =	vst v18  }
0xa1: {  	v8 =	vadd.f32 v28, v8;
	v6 =	vadd.f32 v42, v6;
	v15 =	vmul.f32 $1.999999960e-02, v15;
	[tilespmem:s17+$0x11450] =	vst v17  }
0xa2: {  	v7 =	vadd.f32 v30, v7;
	v11 =	vadd.f32 v45, v11;
	v13 =	vmul.f32 $1.999999960e-02, v13;
	[tilespmem:s17+$0x11460] =	vst v16  }
0xa3: {  	v5 =	vadd.f32 v31, v5;
	v8 =	vadd.f32 v60, v8;
	v6 =	vmul.f32 $1.999999960e-02, v6;
	[tilespmem:s17+$0x11470] =	vst v15  }
0xa4: {  	v12 =	vadd.f32 v23, v12;
	v7 =	vadd.f32 v62, v7;
	v11 =	vmul.f32 $1.999999960e-02, v11;
	[tilespmem:s17+$0x11800] =	vst v13  }
0xa5: {  	v5 =	vadd.f32 v63, v5;
	v8 =	vmul.f32 $1.999999960e-02, v8;
	[tilespmem:s17+$0x11810] =	vst v6  }
0xa6: {  	v10 =	vadd.f32 v25, v10;
	v12 =	vadd.f32 v44, v12;
	v7 =	vmul.f32 $1.999999960e-02, v7;
	[tilespmem:s17+$0x11840] =	vst v11  }
0xa7: {  	v14 =	vadd.f32 v26, v14;
	v4 =	vadd.f32 v32, v4;
	v5 =	vmul.f32 $1.999999960e-02, v5;
	[tilespmem:s17+$0x11860] =	vst v8  }
0xa8: {  	v9 =	vadd.f32 v29, v9;
	v10 =	vadd.f32 v46, v10;
	v6 =	vmul.f32 $1.999999960e-02, v12;
	[tilespmem:s17+$0x11C00] =	vst v7  }
0xa9: {  	v14 =	vadd.f32 v43, v14;
	v4 =	vmul.f32 $1.999999960e-02, v4;
	[tilespmem:s17+$0x11C10] =	vst v5  }
0xaa: {  	v9 =	vadd.f32 v61, v9;
	[tilespmem:s17+$0x11830] =	vst v6;
	v6 =	vmul.f32 $1.999999960e-02, v10  }
0xab: {  	v13 =	vmul.f32 $1.999999960e-02, v14;
	[tilespmem:s17+$0x11C20] =	vst v4  }
0xac: {  	[tilespmem:s17+$0x11850] =	vst v6;
	v6 =	vmul.f32 $1.999999960e-02, v9  }
0xad: {  	[tilespmem:s17+$0x11820] =	vst v13  }
0xae: {  	[tilespmem:s17+$0x11870] =	vst v6  }
0xaf: {  	v4 =	vld [tilespmem:s16+$0x4000];
	_ =	sdelay $0x4  }
0xb0: {  	v5 =	vshrl.u32 v4, $0x3  }
0xb1: {  	v5 =	vmul.u32 $0x18, v5  }
0xb2: {  	v4 =	vand.u32 $0x7, v4  }
0xb3: {  	v4 =	vor.u32 v4, v5  }
0xb4: {  	v5 =	vperm.xlane v4, v0;
	_ =	sdelay $0x1  }
0xb5: {  	v5 =	vadd.s32 v1, v5;
	_ =	sdelay $0x1  }
0xb6: {  	v4 =	vperm.xlane v4, v2;
	_ =	sdelay $0x1  }
0xb7: {  	s2 =	simm.s32 $0x0;
	v4 =	vadd.s32 v1, v4  }
0xb8: {  	[tilespmem:s18], [sflag:$0x1] =	stream.indirect_vreg.gather [hbm4b:s4+s2], $0x80, v5, vm0, $0xb8;
	[tilespmem:$0x13400] =	vst v63  }
0xb9: {  	_ = 	snop  }
0xba: {  	[tilespmem:s19], [sflag:$0x1] =	stream.indirect_vreg.gather [hbm4b:s11+s2], $0x80, v5, vm1, $0xb8;
	[tilespmem:$0x13400] =	vst v63  }
0xbb: {  	_ = 	snop  }
0xbc: {  	[tilespmem:s20], [sflag:$0x1] =	stream.indirect_vreg.gather [hbm4b:s4+s2], $0x80, v4, vm0, $0xb8;
	[tilespmem:$0x13400] =	vst v63  }
0xbd: {  	_ = 	snop  }
0xbe: {  	[tilespmem:s21], [sflag:$0x1] =	stream.indirect_vreg.gather [hbm4b:s11+s2], $0x80, v4, vm1, $0xb8;
	[tilespmem:$0x13400] =	vst v63  }
0xbf: {  	v4 =	vld [tilespmem:s16+$0x4010];
	_ =	sdelay $0x4  }
0xc0: {  	v5 =	vshrl.u32 v4, $0x3  }
0xc1: {  	v5 =	vmul.u32 $0x18, v5  }
0xc2: {  	v4 =	vand.u32 $0x7, v4  }
0xc3: {  	v4 =	vor.u32 v4, v5  }
0xc4: {  	v5 =	vperm.xlane v4, v0;
	_ =	sdelay $0x1  }
0xc5: {  	v5 =	vadd.s32 v1, v5;
	_ =	sdelay $0x1  }
0xc6: {  	v4 =	vperm.xlane v4, v2;
	_ =	sdelay $0x1  }
0xc7: {  	v4 =	vadd.s32 v1, v4  }
0xc8: {  	[tilespmem:s22], [sflag:$0x1] =	stream.indirect_vreg.gather [hbm4b:s4+s2], $0x80, v5, vm0, $0xb8;
	[tilespmem:$0x13400] =	vst v63  }
0xc9: {  	_ = 	snop  }
0xca: {  	[tilespmem:s23], [sflag:$0x1] =	stream.indirect_vreg.gather [hbm4b:s11+s2], $0x80, v5, vm1, $0xb8;
	[tilespmem:$0x13400] =	vst v63  }
0xcb: {  	_ = 	snop  }
0xcc: {  	[tilespmem:s24], [sflag:$0x1] =	stream.indirect_vreg.gather [hbm4b:s4+s2], $0x80, v4, vm0, $0xb8;
	[tilespmem:$0x13400] =	vst v63  }
0xcd: {  	_ = 	snop  }
0xce: {  	[tilespmem:s25], [sflag:$0x1] =	stream.indirect_vreg.gather [hbm4b:s11+s2], $0x80, v4, vm1, $0xb8;
	[tilespmem:$0x13400] =	vst v63  }
0xcf: {  	v4 =	vld [tilespmem:s16+$0x4020];
	_ =	sdelay $0x4  }
0xd0: {  	v5 =	vshrl.u32 v4, $0x3  }
0xd1: {  	v5 =	vmul.u32 $0x18, v5  }
0xd2: {  	v4 =	vand.u32 $0x7, v4  }
0xd3: {  	v4 =	vor.u32 v4, v5  }
0xd4: {  	v5 =	vperm.xlane v4, v0;
	_ =	sdelay $0x1  }
0xd5: {  	v5 =	vadd.s32 v1, v5;
	_ =	sdelay $0x1  }
0xd6: {  	v4 =	vperm.xlane v4, v2;
	_ =	sdelay $0x1  }
0xd7: {  	v4 =	vadd.s32 v1, v4  }
0xd8: {  	[tilespmem:s26], [sflag:$0x1] =	stream.indirect_vreg.gather [hbm4b:s4+s2], $0x80, v5, vm0, $0xb8;
	[tilespmem:$0x13400] =	vst v63  }
0xd9: {  	_ = 	snop  }
0xda: {  	[tilespmem:s28], [sflag:$0x1] =	stream.indirect_vreg.gather [hbm4b:s11+s2], $0x80, v5, vm1, $0xb8;
	[tilespmem:$0x13400] =	vst v63  }
0xdb: {  	_ = 	snop  }
0xdc: {  	[tilespmem:s29], [sflag:$0x1] =	stream.indirect_vreg.gather [hbm4b:s4+s2], $0x80, v4, vm0, $0xb8;
	[tilespmem:$0x13400] =	vst v63  }
0xdd: {  	_ = 	snop  }
0xde: {  	[tilespmem:s30], [sflag:$0x1] =	stream.indirect_vreg.gather [hbm4b:s11+s2], $0x80, v4, vm1, $0xb8;
	[tilespmem:$0x13400] =	vst v63  }
0xdf: {  	v4 =	vld.msk [tilespmem:s16+$0x4030], $0xff;
	_ =	sdelay $0x4  }
0xe0: {  	v5 =	vshrl.u32 v4, $0x3  }
0xe1: {  	v5 =	vmul.u32 $0x18, v5  }
0xe2: {  	v4 =	vand.u32 $0x7, v4  }
0xe3: {  	v4 =	vor.u32 v4, v5  }
0xe4: {  	v4 =	vperm.xlane v4, v0;
	_ =	sdelay $0x1  }
0xe5: {  	v4 =	vadd.s32 v1, v4;
	_ =	sdelay $0x3  }
0xe6: {  	s13 =	simm.s32 $0x0  }
0xe7: {  	[tilespmem:s31], [sflag:$0x1] =	stream.indirect_vreg.gather [hbm4b:s4+s2], $0x80, v4, vm0, $0xb8;
	[tilespmem:$0x13400] =	vst v63  }
0xe8: {  	s6 =	smul.u32 $0x3000, s13  }
0xe9: {  	[tilespmem:s0], [sflag:$0x1] =	stream.indirect_vreg.gather [hbm4b:s11+s2], $0x80, v4, vm1, $0xb8;
	[tilespmem:$0x13400] =	vst v63  }
0xea: {  	_ =	swait.ge [sflag:s1], $0x5400  }
0xeb: {  	s15 =	sand.u32 $0x380, s2;
	s6 =	sshra.s32 s6, $0x2;
	[sflag:s1] =	ssyncset.done $0x0  }
0xec: {  	s6 =	sor.u32 s15, s6;
	[sflag:s1] =	ssyncadd.s32 $0xFFFFAC00  }
0xed: {  	v4 =	vld [tilespmem:s6+$0xC820]  }
0xee: {  	v5 =	vld [tilespmem:s6+$0xC000]  }
0xef: {  	v6 =	vld [tilespmem:s6+$0xC010]  }
0xf0: {  	v8 =	vld [tilespmem:s6+$0xC020]  }
0xf1: {  	v9 =	vld [tilespmem:s6+$0xC030]  }
0xf2: {  	v10 =	vld [tilespmem:s6+$0xC040]  }
0xf3: {  	v11 =	vld [tilespmem:s6+$0xC050]  }
0xf4: {  	v12 =	vld [tilespmem:s6+$0xC060]  }
0xf5: {  	v7 =	vimm.f32 $0.0e+00;
	v13 =	vld [tilespmem:s6+$0xC070]  }
0xf6: {  	v14 =	vld [tilespmem:s6+$0xC400];
	v4 =	vadd.f32 v4, v7  }
0xf7: {  	v22 =	vadd.f32 v5, v7;
	v21 =	vadd.f32 v6, v7  }
0xf8: {  	v20 =	vadd.f32 v8, v7;
	v19 =	vadd.f32 v9, v7  }
0xf9: {  	v27 =	vld [tilespmem:s6+$0xC410];
	v18 =	vadd.f32 v10, v7;
	v17 =	vadd.f32 v11, v7  }
0xfa: {  	v26 =	vld [tilespmem:s6+$0xC420];
	v16 =	vadd.f32 v12, v7;
	v15 =	vadd.f32 v13, v7  }
0xfb: {  	v23 =	vld [tilespmem:s6+$0xC430];
	v13 =	vadd.f32 v14, v7;
	v14 =	vimm.f32 $0.0e+00;
	v12 =	vimm.f32 $0.0e+00  }
0xfc: {  	v24 =	vld [tilespmem:s6+$0xC440];
	v11 =	vimm.f32 $0.0e+00;
	v10 =	vimm.f32 $0.0e+00;
	v8 =	vimm.f32 $0.0e+00  }
0xfd: {  	s13 =	simm.s32 $0x2;
	s15 =	simm.s32 $0x0;
	v25 =	vld [tilespmem:s6+$0xC450];
	v9 =	vimm.f32 $0.0e+00;
	v6 =	vimm.f32 $0.0e+00;
	v5 =	vimm.f32 $0.0e+00  }
.LBB2_6:
0xfe: {  	p0 =	sne.s32 s13, $0x31;
	s7 =	smul.u32 $0x3000, s15;
	v7 =	vadd.f32 v27, v7;
	v27 =	vld [tilespmem:s6+$0xC460]  }
0xff: {  	s2 =	sadd.s32 $0x80, s2;
	v14 =	vadd.f32 v26, v14;
	v26 =	vld [tilespmem:s6+$0xC470]  }
0x100: {  	s15 =	sand.u32 $0x380, s2;
	s7 =	sshra.s32 s7, $0x2;
	v12 =	vadd.f32 v23, v12;
	v23 =	vld [tilespmem:s6+$0xC800]  }
0x101: {  	v11 =	vadd.f32 v24, v11;
	v24 =	vld [tilespmem:s6+$0xC810];
	s6 =	sor.u32 s15, s7  }
0x102: {  	v28 =	vld [tilespmem:s6+$0xC820];
	v10 =	vadd.f32 v25, v10  }
0x103: {  	v25 =	vld [tilespmem:s6+$0xC000];
	v8 =	vadd.f32 v27, v8  }
0x104: {  	v27 =	vld [tilespmem:s6+$0xC010];
	v9 =	vadd.f32 v26, v9  }
0x105: {  	v26 =	vld [tilespmem:s6+$0xC020];
	v6 =	vadd.f32 v23, v6  }
0x106: {  	v23 =	vld [tilespmem:s6+$0xC030];
	v5 =	vadd.f32 v24, v5  }
0x107: {  	v24 =	vld [tilespmem:s6+$0xC040];
	v4 =	vadd.f32 v28, v4  }
0x108: {  	v22 =	vadd.f32 v25, v22;
	v25 =	vld [tilespmem:s6+$0xC050]  }
0x109: {  	v21 =	vadd.f32 v27, v21;
	v28 =	vld [tilespmem:s6+$0xC060]  }
0x10a: {  	v20 =	vadd.f32 v26, v20;
	v29 =	vld [tilespmem:s6+$0xC070]  }
0x10b: {  	v19 =	vadd.f32 v23, v19;
	v30 =	vld [tilespmem:s6+$0xC400]  }
.Ltmp1:
0x10c: {  	v18 =	vadd.f32 v24, v18;
	v27 =	vld [tilespmem:s6+$0xC410];
	(pc) =	sbr.rel @p0 .LBB2_6-.Ltmp1, $4  }
0x10d: {  	v17 =	vadd.f32 v25, v17;
	v26 =	vld [tilespmem:s6+$0xC420]  }
0x10e: {  	v16 =	vadd.f32 v28, v16;
	v23 =	vld [tilespmem:s6+$0xC430]  }
0x10f: {  	v15 =	vadd.f32 v29, v15;
	v24 =	vld [tilespmem:s6+$0xC440]  }
0x110: {  	s15 =	sshrl.u32 s13, $0x3;
	s13 =	sadd.s32 $0x1, s13;
	v13 =	vadd.f32 v30, v13;
	v25 =	vld [tilespmem:s6+$0xC450]  }
0x111: {  	s7 =	smul.u32 $0x3000, s15;
	v28 =	vld [tilespmem:s6+$0xC460]  }
0x112: {  	v29 =	vld [tilespmem:s6+$0xC470];
	s2 =	sadd.s32 $0x80, s2  }
0x113: {  	v30 =	vld [tilespmem:s6+$0xC800];
	s2 =	sand.u32 $0x380, s2;
	s7 =	sshra.s32 s7, $0x2  }
0x114: {  	v31 =	vld [tilespmem:s6+$0xC810];
	s2 =	sor.u32 s2, s7  }
0x115: {  	v32 =	vld [tilespmem:s2+$0xC820]  }
0x116: {  	v33 =	vld [tilespmem:s2+$0xC000]  }
0x117: {  	v34 =	vld [tilespmem:s2+$0xC010]  }
0x118: {  	v35 =	vld [tilespmem:s2+$0xC020]  }
0x119: {  	v36 =	vld [tilespmem:s2+$0xC030]  }
0x11a: {  	v37 =	vld [tilespmem:s2+$0xC040]  }
0x11b: {  	v38 =	vld [tilespmem:s2+$0xC050]  }
0x11c: {  	v39 =	vld [tilespmem:s2+$0xC060]  }
0x11d: {  	v40 =	vld [tilespmem:s2+$0xC070]  }
0x11e: {  	v41 =	vld [tilespmem:s2+$0xC400]  }
0x11f: {  	v42 =	vld [tilespmem:s2+$0xC410]  }
0x120: {  	v43 =	vld [tilespmem:s2+$0xC420]  }
0x121: {  	v44 =	vld [tilespmem:s2+$0xC430]  }
0x122: {  	v45 =	vld [tilespmem:s2+$0xC440]  }
0x123: {  	v46 =	vld [tilespmem:s2+$0xC450];
	v22 =	vadd.f32 v33, v22  }
0x124: {  	v60 =	vld [tilespmem:s2+$0xC460];
	v21 =	vadd.f32 v34, v21  }
0x125: {  	v61 =	vld [tilespmem:s2+$0xC470];
	v20 =	vadd.f32 v35, v20;
	v22 =	vmul.f32 $1.999999960e-02, v22  }
0x126: {  	v62 =	vld [tilespmem:s2+$0xC800];
	v19 =	vadd.f32 v36, v19;
	v21 =	vmul.f32 $1.999999960e-02, v21  }
0x127: {  	v63 =	vld [tilespmem:s2+$0xC810];
	v18 =	vadd.f32 v37, v18;
	v20 =	vmul.f32 $1.999999960e-02, v20;
	[tilespmem:s17+$0x11C30] =	vst v22  }
0x128: {  	v17 =	vadd.f32 v38, v17;
	v19 =	vmul.f32 $1.999999960e-02, v19;
	[tilespmem:s17+$0x11C40] =	vst v21  }
0x129: {  	v16 =	vadd.f32 v39, v16;
	v18 =	vmul.f32 $1.999999960e-02, v18;
	[tilespmem:s17+$0x11C50] =	vst v20  }
0x12a: {  	v7 =	vadd.f32 v27, v7;
	v15 =	vadd.f32 v40, v15;
	v17 =	vmul.f32 $1.999999960e-02, v17;
	[tilespmem:s17+$0x11C60] =	vst v19  }
0x12b: {  	v11 =	vadd.f32 v24, v11;
	v13 =	vadd.f32 v41, v13;
	v16 =	vmul.f32 $1.999999960e-02, v16;
	[tilespmem:s17+$0x11C70] =	vst v18  }
0x12c: {  	v8 =	vadd.f32 v28, v8;
	v7 =	vadd.f32 v42, v7;
	v15 =	vmul.f32 $1.999999960e-02, v15;
	[tilespmem:s17+$0x12000] =	vst v17  }
0x12d: {  	v6 =	vadd.f32 v30, v6;
	v11 =	vadd.f32 v45, v11;
	v13 =	vmul.f32 $1.999999960e-02, v13;
	[tilespmem:s17+$0x12010] =	vst v16  }
0x12e: {  	v5 =	vadd.f32 v31, v5;
	v8 =	vadd.f32 v60, v8;
	v7 =	vmul.f32 $1.999999960e-02, v7;
	[tilespmem:s17+$0x12020] =	vst v15  }
0x12f: {  	v12 =	vadd.f32 v23, v12;
	v6 =	vadd.f32 v62, v6;
	v11 =	vmul.f32 $1.999999960e-02, v11;
	[tilespmem:s17+$0x12030] =	vst v13  }
0x130: {  	v5 =	vadd.f32 v63, v5;
	v8 =	vmul.f32 $1.999999960e-02, v8;
	[tilespmem:s17+$0x12040] =	vst v7  }
0x131: {  	v10 =	vadd.f32 v25, v10;
	v12 =	vadd.f32 v44, v12;
	v6 =	vmul.f32 $1.999999960e-02, v6;
	[tilespmem:s17+$0x12070] =	vst v11  }
0x132: {  	v14 =	vadd.f32 v26, v14;
	v4 =	vadd.f32 v32, v4;
	v5 =	vmul.f32 $1.999999960e-02, v5;
	[tilespmem:s17+$0x12410] =	vst v8  }
0x133: {  	v9 =	vadd.f32 v29, v9;
	v10 =	vadd.f32 v46, v10;
	v7 =	vmul.f32 $1.999999960e-02, v12;
	[tilespmem:s17+$0x12430] =	vst v6  }
0x134: {  	v14 =	vadd.f32 v43, v14;
	v4 =	vmul.f32 $1.999999960e-02, v4;
	[tilespmem:s17+$0x12440] =	vst v5  }
0x135: {  	v9 =	vadd.f32 v61, v9;
	[tilespmem:s17+$0x12060] =	vst v7;
	v7 =	vmul.f32 $1.999999960e-02, v10  }
0x136: {  	v13 =	vmul.f32 $1.999999960e-02, v14;
	[tilespmem:s17+$0x12450] =	vst v4  }
0x137: {  	[tilespmem:s17+$0x12400] =	vst v7;
	v7 =	vmul.f32 $1.999999960e-02, v9  }
0x138: {  	[tilespmem:s17+$0x12050] =	vst v13  }
0x139: {  	[tilespmem:s17+$0x12420] =	vst v7  }
0x13a: {  	v4 =	vld [tilespmem:s16+$0x8000];
	_ =	sdelay $0x4  }
0x13b: {  	v5 =	vshrl.u32 v4, $0x3  }
0x13c: {  	v5 =	vmul.u32 $0x18, v5  }
0x13d: {  	v4 =	vand.u32 $0x7, v4  }
0x13e: {  	v4 =	vor.u32 v4, v5  }
0x13f: {  	v5 =	vperm.xlane v4, v0;
	_ =	sdelay $0x1  }
0x140: {  	v5 =	vadd.s32 v1, v5;
	_ =	sdelay $0x1  }
0x141: {  	v4 =	vperm.xlane v4, v2;
	_ =	sdelay $0x1  }
0x142: {  	s2 =	simm.s32 $0x0;
	v4 =	vadd.s32 v1, v4  }
0x143: {  	[tilespmem:s18], [sflag:$0x1] =	stream.indirect_vreg.gather [hbm4b:s5+s2], $0x80, v5, vm0, $0xb8;
	[tilespmem:$0x13400] =	vst v63  }
0x144: {  	_ = 	snop  }
0x145: {  	[tilespmem:s19], [sflag:$0x1] =	stream.indirect_vreg.gather [hbm4b:s12+s2], $0x80, v5, vm1, $0xb8;
	[tilespmem:$0x13400] =	vst v63  }
0x146: {  	_ = 	snop  }
0x147: {  	[tilespmem:s20], [sflag:$0x1] =	stream.indirect_vreg.gather [hbm4b:s5+s2], $0x80, v4, vm0, $0xb8;
	[tilespmem:$0x13400] =	vst v63  }
0x148: {  	_ = 	snop  }
0x149: {  	[tilespmem:s21], [sflag:$0x1] =	stream.indirect_vreg.gather [hbm4b:s12+s2], $0x80, v4, vm1, $0xb8;
	[tilespmem:$0x13400] =	vst v63  }
0x14a: {  	v4 =	vld [tilespmem:s16+$0x8010];
	_ =	sdelay $0x4  }
0x14b: {  	v5 =	vshrl.u32 v4, $0x3  }
0x14c: {  	v5 =	vmul.u32 $0x18, v5  }
0x14d: {  	v4 =	vand.u32 $0x7, v4  }
0x14e: {  	v4 =	vor.u32 v4, v5  }
0x14f: {  	v5 =	vperm.xlane v4, v0;
	_ =	sdelay $0x1  }
0x150: {  	v5 =	vadd.s32 v1, v5;
	_ =	sdelay $0x1  }
0x151: {  	v4 =	vperm.xlane v4, v2;
	_ =	sdelay $0x1  }
0x152: {  	v4 =	vadd.s32 v1, v4  }
0x153: {  	[tilespmem:s22], [sflag:$0x1] =	stream.indirect_vreg.gather [hbm4b:s5+s2], $0x80, v5, vm0, $0xb8;
	[tilespmem:$0x13400] =	vst v63  }
0x154: {  	_ = 	snop  }
0x155: {  	[tilespmem:s23], [sflag:$0x1] =	stream.indirect_vreg.gather [hbm4b:s12+s2], $0x80, v5, vm1, $0xb8;
	[tilespmem:$0x13400] =	vst v63  }
0x156: {  	_ = 	snop  }
0x157: {  	[tilespmem:s24], [sflag:$0x1] =	stream.indirect_vreg.gather [hbm4b:s5+s2], $0x80, v4, vm0, $0xb8;
	[tilespmem:$0x13400] =	vst v63  }
0x158: {  	_ = 	snop  }
0x159: {  	[tilespmem:s25], [sflag:$0x1] =	stream.indirect_vreg.gather [hbm4b:s12+s2], $0x80, v4, vm1, $0xb8;
	[tilespmem:$0x13400] =	vst v63  }
0x15a: {  	v4 =	vld [tilespmem:s16+$0x8020];
	_ =	sdelay $0x4  }
0x15b: {  	v5 =	vshrl.u32 v4, $0x3  }
0x15c: {  	v5 =	vmul.u32 $0x18, v5  }
0x15d: {  	v4 =	vand.u32 $0x7, v4  }
0x15e: {  	v4 =	vor.u32 v4, v5  }
0x15f: {  	v5 =	vperm.xlane v4, v0;
	_ =	sdelay $0x1  }
0x160: {  	v5 =	vadd.s32 v1, v5;
	_ =	sdelay $0x1  }
0x161: {  	v4 =	vperm.xlane v4, v2;
	_ =	sdelay $0x1  }
0x162: {  	v4 =	vadd.s32 v1, v4  }
0x163: {  	[tilespmem:s26], [sflag:$0x1] =	stream.indirect_vreg.gather [hbm4b:s5+s2], $0x80, v5, vm0, $0xb8;
	[tilespmem:$0x13400] =	vst v63  }
0x164: {  	_ = 	snop  }
0x165: {  	[tilespmem:s28], [sflag:$0x1] =	stream.indirect_vreg.gather [hbm4b:s12+s2], $0x80, v5, vm1, $0xb8;
	[tilespmem:$0x13400] =	vst v63  }
0x166: {  	_ = 	snop  }
0x167: {  	[tilespmem:s29], [sflag:$0x1] =	stream.indirect_vreg.gather [hbm4b:s5+s2], $0x80, v4, vm0, $0xb8;
	[tilespmem:$0x13400] =	vst v63  }
0x168: {  	_ = 	snop  }
0x169: {  	[tilespmem:s30], [sflag:$0x1] =	stream.indirect_vreg.gather [hbm4b:s12+s2], $0x80, v4, vm1, $0xb8;
	[tilespmem:$0x13400] =	vst v63  }
0x16a: {  	v4 =	vld.msk [tilespmem:s16+$0x8030], $0xff;
	_ =	sdelay $0x4  }
0x16b: {  	v5 =	vshrl.u32 v4, $0x3  }
0x16c: {  	v5 =	vmul.u32 $0x18, v5  }
0x16d: {  	v4 =	vand.u32 $0x7, v4  }
0x16e: {  	v4 =	vor.u32 v4, v5  }
0x16f: {  	v4 =	vperm.xlane v4, v0;
	_ =	sdelay $0x1  }
0x170: {  	v4 =	vadd.s32 v1, v4;
	_ =	sdelay $0x3  }
0x171: {  	s15 =	simm.s32 $0x0  }
0x172: {  	[tilespmem:s31], [sflag:$0x1] =	stream.indirect_vreg.gather [hbm4b:s5+s2], $0x80, v4, vm0, $0xb8;
	[tilespmem:$0x13400] =	vst v63  }
0x173: {  	s6 =	smul.u32 $0x3000, s15  }
0x174: {  	[tilespmem:s0], [sflag:$0x1] =	stream.indirect_vreg.gather [hbm4b:s12+s2], $0x80, v4, vm1, $0xb8;
	[tilespmem:$0x13400] =	vst v63  }
0x175: {  	_ =	swait.ge [sflag:s1], $0x5400  }
0x176: {  	s6 =	sshra.s32 s6, $0x2;
	s16 =	sand.u32 $0x380, s2;
	[sflag:s1] =	ssyncset.done $0x0  }
0x177: {  	s6 =	sor.u32 s16, s6;
	[sflag:s1] =	ssyncadd.s32 $0xFFFFAC00  }
0x178: {  	v4 =	vld [tilespmem:s6+$0xC820]  }
0x179: {  	v5 =	vld [tilespmem:s6+$0xC000]  }
0x17a: {  	v6 =	vld [tilespmem:s6+$0xC010]  }
0x17b: {  	v8 =	vld [tilespmem:s6+$0xC020]  }
0x17c: {  	v9 =	vld [tilespmem:s6+$0xC030]  }
0x17d: {  	v10 =	vld [tilespmem:s6+$0xC040]  }
0x17e: {  	v11 =	vld [tilespmem:s6+$0xC050]  }
0x17f: {  	v12 =	vld [tilespmem:s6+$0xC060]  }
0x180: {  	v7 =	vimm.f32 $0.0e+00;
	v13 =	vld [tilespmem:s6+$0xC070]  }
0x181: {  	v14 =	vld [tilespmem:s6+$0xC400];
	v4 =	vadd.f32 v4, v7  }
0x182: {  	v22 =	vadd.f32 v5, v7;
	v21 =	vadd.f32 v6, v7  }
0x183: {  	v20 =	vadd.f32 v8, v7;
	v19 =	vadd.f32 v9, v7  }
0x184: {  	v27 =	vld [tilespmem:s6+$0xC410];
	v18 =	vadd.f32 v10, v7;
	v17 =	vadd.f32 v11, v7  }
0x185: {  	v26 =	vld [tilespmem:s6+$0xC420];
	v16 =	vadd.f32 v12, v7;
	v15 =	vadd.f32 v13, v7  }
0x186: {  	v23 =	vld [tilespmem:s6+$0xC430];
	v13 =	vadd.f32 v14, v7;
	v14 =	vimm.f32 $0.0e+00;
	v12 =	vimm.f32 $0.0e+00  }
0x187: {  	v24 =	vld [tilespmem:s6+$0xC440];
	v11 =	vimm.f32 $0.0e+00;
	v10 =	vimm.f32 $0.0e+00;
	v8 =	vimm.f32 $0.0e+00  }
0x188: {  	s13 =	simm.s32 $0x2;
	s15 =	simm.s32 $0x0;
	v25 =	vld [tilespmem:s6+$0xC450];
	v9 =	vimm.f32 $0.0e+00;
	v6 =	vimm.f32 $0.0e+00;
	v5 =	vimm.f32 $0.0e+00  }
.LBB2_8:
0x189: {  	p0 =	sne.s32 s13, $0x31;
	s7 =	smul.u32 $0x3000, s15;
	v7 =	vadd.f32 v27, v7;
	v27 =	vld [tilespmem:s6+$0xC460]  }
0x18a: {  	s2 =	sadd.s32 $0x80, s2;
	v14 =	vadd.f32 v26, v14;
	v26 =	vld [tilespmem:s6+$0xC470]  }
0x18b: {  	s15 =	sand.u32 $0x380, s2;
	s7 =	sshra.s32 s7, $0x2;
	v12 =	vadd.f32 v23, v12;
	v23 =	vld [tilespmem:s6+$0xC800]  }
0x18c: {  	v11 =	vadd.f32 v24, v11;
	v24 =	vld [tilespmem:s6+$0xC810];
	s6 =	sor.u32 s15, s7  }
0x18d: {  	v28 =	vld [tilespmem:s6+$0xC820];
	v10 =	vadd.f32 v25, v10  }
0x18e: {  	v25 =	vld [tilespmem:s6+$0xC000];
	v8 =	vadd.f32 v27, v8  }
0x18f: {  	v27 =	vld [tilespmem:s6+$0xC010];
	v9 =	vadd.f32 v26, v9  }
0x190: {  	v26 =	vld [tilespmem:s6+$0xC020];
	v6 =	vadd.f32 v23, v6  }
0x191: {  	v23 =	vld [tilespmem:s6+$0xC030];
	v5 =	vadd.f32 v24, v5  }
0x192: {  	v24 =	vld [tilespmem:s6+$0xC040];
	v4 =	vadd.f32 v28, v4  }
0x193: {  	v22 =	vadd.f32 v25, v22;
	v25 =	vld [tilespmem:s6+$0xC050]  }
0x194: {  	v21 =	vadd.f32 v27, v21;
	v28 =	vld [tilespmem:s6+$0xC060]  }
0x195: {  	v20 =	vadd.f32 v26, v20;
	v29 =	vld [tilespmem:s6+$0xC070]  }
0x196: {  	v19 =	vadd.f32 v23, v19;
	v30 =	vld [tilespmem:s6+$0xC400]  }
.Ltmp2:
0x197: {  	v18 =	vadd.f32 v24, v18;
	v27 =	vld [tilespmem:s6+$0xC410];
	(pc) =	sbr.rel @p0 .LBB2_8-.Ltmp2, $4  }
0x198: {  	v17 =	vadd.f32 v25, v17;
	v26 =	vld [tilespmem:s6+$0xC420]  }
0x199: {  	v16 =	vadd.f32 v28, v16;
	v23 =	vld [tilespmem:s6+$0xC430]  }
0x19a: {  	v15 =	vadd.f32 v29, v15;
	v24 =	vld [tilespmem:s6+$0xC440]  }
0x19b: {  	s15 =	sshrl.u32 s13, $0x3;
	s13 =	sadd.s32 $0x1, s13;
	v13 =	vadd.f32 v30, v13;
	v25 =	vld [tilespmem:s6+$0xC450]  }
0x19c: {  	s7 =	smul.u32 $0x3000, s15;
	v28 =	vld [tilespmem:s6+$0xC460]  }
0x19d: {  	v29 =	vld [tilespmem:s6+$0xC470];
	s2 =	sadd.s32 $0x80, s2  }
0x19e: {  	v30 =	vld [tilespmem:s6+$0xC800];
	s2 =	sand.u32 $0x380, s2;
	s7 =	sshra.s32 s7, $0x2  }
0x19f: {  	v31 =	vld [tilespmem:s6+$0xC810];
	s2 =	sor.u32 s2, s7  }
0x1a0: {  	v32 =	vld [tilespmem:s2+$0xC820]  }
0x1a1: {  	v33 =	vld [tilespmem:s2+$0xC000]  }
0x1a2: {  	v34 =	vld [tilespmem:s2+$0xC010]  }
0x1a3: {  	v35 =	vld [tilespmem:s2+$0xC020]  }
0x1a4: {  	v36 =	vld [tilespmem:s2+$0xC030]  }
0x1a5: {  	v37 =	vld [tilespmem:s2+$0xC040]  }
0x1a6: {  	v38 =	vld [tilespmem:s2+$0xC050]  }
0x1a7: {  	v39 =	vld [tilespmem:s2+$0xC060]  }
0x1a8: {  	v40 =	vld [tilespmem:s2+$0xC070]  }
0x1a9: {  	v41 =	vld [tilespmem:s2+$0xC400]  }
0x1aa: {  	v42 =	vld [tilespmem:s2+$0xC410]  }
0x1ab: {  	v43 =	vld [tilespmem:s2+$0xC420]  }
0x1ac: {  	v44 =	vld [tilespmem:s2+$0xC430]  }
0x1ad: {  	v45 =	vld [tilespmem:s2+$0xC440]  }
0x1ae: {  	v46 =	vld [tilespmem:s2+$0xC450];
	v22 =	vadd.f32 v33, v22  }
0x1af: {  	v56 =	vld [tilespmem:s2+$0xC460];
	v21 =	vadd.f32 v34, v21  }
0x1b0: {  	v57 =	vld [tilespmem:s2+$0xC470];
	v20 =	vadd.f32 v35, v20;
	v22 =	vmul.f32 $1.999999960e-02, v22  }
0x1b1: {  	v58 =	vld [tilespmem:s2+$0xC800];
	v19 =	vadd.f32 v36, v19;
	v21 =	vmul.f32 $1.999999960e-02, v21  }
0x1b2: {  	v59 =	vld [tilespmem:s2+$0xC810];
	v18 =	vadd.f32 v37, v18;
	v20 =	vmul.f32 $1.999999960e-02, v20;
	[tilespmem:s17+$0x12460] =	vst v22  }
0x1b3: {  	v17 =	vadd.f32 v38, v17;
	v19 =	vmul.f32 $1.999999960e-02, v19;
	[tilespmem:s17+$0x12470] =	vst v21  }
0x1b4: {  	v16 =	vadd.f32 v39, v16;
	v18 =	vmul.f32 $1.999999960e-02, v18;
	[tilespmem:s17+$0x12800] =	vst v20  }
0x1b5: {  	v7 =	vadd.f32 v27, v7;
	v15 =	vadd.f32 v40, v15;
	v17 =	vmul.f32 $1.999999960e-02, v17;
	[tilespmem:s17+$0x12810] =	vst v19  }
0x1b6: {  	v14 =	vadd.f32 v26, v14;
	v13 =	vadd.f32 v41, v13;
	v16 =	vmul.f32 $1.999999960e-02, v16;
	[tilespmem:s17+$0x12820] =	vst v18  }
0x1b7: {  	v12 =	vadd.f32 v23, v12;
	v7 =	vadd.f32 v42, v7;
	v15 =	vmul.f32 $1.999999960e-02, v15;
	[tilespmem:s17+$0x12830] =	vst v17  }
0x1b8: {  	v11 =	vadd.f32 v24, v11;
	v14 =	vadd.f32 v43, v14;
	v13 =	vmul.f32 $1.999999960e-02, v13;
	[tilespmem:s17+$0x12840] =	vst v16  }
0x1b9: {  	v10 =	vadd.f32 v25, v10;
	v12 =	vadd.f32 v44, v12;
	v7 =	vmul.f32 $1.999999960e-02, v7;
	[tilespmem:s17+$0x12850] =	vst v15  }
0x1ba: {  	v8 =	vadd.f32 v28, v8;
	v11 =	vadd.f32 v45, v11;
	v60 =	vmul.f32 $1.999999960e-02, v14;
	[tilespmem:s17+$0x12860] =	vst v13  }
0x1bb: {  	v9 =	vadd.f32 v29, v9;
	v10 =	vadd.f32 v46, v10;
	v61 =	vmul.f32 $1.999999960e-02, v12;
	[tilespmem:s17+$0x12870] =	vst v7  }
0x1bc: {  	v6 =	vadd.f32 v30, v6;
	v8 =	vadd.f32 v56, v8;
	v11 =	vmul.f32 $1.999999960e-02, v11;
	[tilespmem:s17+$0x12C00] =	vst v60  }
0x1bd: {  	v5 =	vadd.f32 v31, v5;
	v9 =	vadd.f32 v57, v9;
	v62 =	vmul.f32 $1.999999960e-02, v10;
	[tilespmem:s17+$0x12C10] =	vst v61  }
0x1be: {  	s14 =	sadd.s32 $0x1, s14;
	v6 =	vadd.f32 v58, v6;
	v8 =	vmul.f32 $1.999999960e-02, v8;
	[tilespmem:s17+$0x12C20] =	vst v11  }
0x1bf: {  	p0 =	sne.s32 s14, $0x8;
	v5 =	vadd.f32 v59, v5;
	v63 =	vmul.f32 $1.999999960e-02, v9;
	[tilespmem:s17+$0x12C30] =	vst v62  }
.Ltmp3:
0x1c0: {  	v4 =	vadd.f32 v32, v4;
	v6 =	vmul.f32 $1.999999960e-02, v6;
	[tilespmem:s17+$0x12C40] =	vst v8;
	(pc) =	sbr.rel @p0 .LBB2_3-.Ltmp3, $4  }
0x1c1: {  	v5 =	vmul.f32 $1.999999960e-02, v5;
	[tilespmem:s17+$0x12C50] =	vst v63  }
0x1c2: {  	v4 =	vmul.f32 $1.999999960e-02, v4;
	[tilespmem:s17+$0x12C60] =	vst v6  }
0x1c3: {  	[tilespmem:s17+$0x12C70] =	vst v5  }
0x1c4: {  	[tilespmem:s17+$0x13000] =	vst v4  }
0x1c5: {  	s2 =	rddreg [dreg:$0x6]  }
0x1c6: {  	s8 =	rddreg [dreg:$0x9]  }
0x1c7: {  	s6 =	rddreg [dreg:$0x2]  }
0x1c8: {  	s16 =	simm.s32 $0x0;
	s2 =	sadd.s32 s2, s8;
	s8 =	sadd.s32 $0x1, s8  }
0x1c9: {  	s7 =	simm.s32 $0x11400;
	s2 =	sshll.u32 s2, $0xA;
	p0 =	sne.s32 s8, $0x10  }
.Ltmp4:
0x1ca: {  	s17 =	simm.s32 $0x2;
	s2 =	sadd.s32 s6, s2;
	(pc) =	sbr.rel @p0 .LBB2_2-.Ltmp4, $4  }
0x1cb: {  	[hbm4b:s2+s16] =	stream.linear.scatter [tilespmem:s7], [sflag:$0x2], $0x2000, $0x38;
	[tilespmem:$0x13400] =	vst v63  }
0x1cc: {  	_ =	swait.ge [sflag:s17], $0x2000  }
0x1cd: {  	[sflag:s17] =	ssyncset.done $0x0  }
0x1ce: {  	[sflag:s17] =	ssyncadd.s32 $0xFFFFE000  }
0x1cf: {  	s6 =	rddreg [dreg:$0x8]  }
0x1d0: {  	s2 =	rddreg [dreg:$0x7];
	s6 =	sadd.s32 $0x1, s6  }
0x1d1: {  	p0 =	sne.s32 s6, s2  }
.Ltmp5:
0x1d2: {  	_ = 	snop;
	(pc) =	sbr.rel @p0 .LBB2_1-.Ltmp5, $1  }
0x1d3: {  	_ =	sdelay $0x3  }
0x1d4: {  	_ =	sfence.sel $0x180000  }
0x1d5: {  	[bflag:$0x0] =	sbarrier.arrive $0xFFFF  }
0x1d6: {  	_ =	strace $0x90000047  }
0x1d7: {  	s0 =	stileid.u32;
	[bflag:$0x2] =	sbarrier.arrive $0xFFFF  }
0x1d8: {  	p0 =	sne.s32 s0, $0x0;
	s0 =	rddreg [dreg:$0x1]  }
0x1d9: {  	s0 =	sadd.s32 @!p0 $0x100000, s0  }
0x1da: {  	[sflag:s0] =	ssyncadd.tile.s32 @!p0 $0x1;
	_ =	shalt  }
.Lfunc_end2:
_tile_overlayer_lowered:
.L_overlay_start_2:
0x1db: {  	(tag) =	ssettag $0x2  }
0x1dc: {  	s0 =	rddreg [dreg:$0x0];
	s2 =	stileid.u32  }
0x1dd: {  	s1 =	rddreg [dreg:$0x1];
	p0 =	sne.s32 s2, $0x0  }
0x1de: {  	s3 =	rddreg [dreg:$0x2];
	[bflag:$0x3] =	sbarrier.arrive $0xFFFF;
	s2 =	simm.s32 @!p0 $0x1C02  }
0x1df: {  	[timem:s3], [sflag:s2] =	dma.local @!p0 [hbm:s0], s1  }
0x1e0: {  	s0 =	simm.s32 @!p0 $0x2  }
0x1e1: {  	_ =	swait.ge @!p0 [sflag:s0], s1  }
0x1e2: {  	s1 =	ssub.s32 @!p0 $0x0, s1;
	[sflag:s0] =	ssyncset.done @!p0 $0x0  }
0x1e3: {  	[sflag:s0] =	ssyncadd.s32 @!p0 s1  }
0x1e4: {  	[bflag:$0x3] =	sbarrier.arrive $0xFFFF  }
0x1e5: {  	_ =	shalt  }

</sc_bundles>
